<compile_context>
chip_gen: v7x
topology: tpu7x:2x2x1
jax: 0.10.2.dev20260603
libtpu: 0.0.44.dev20260713+nightly
codegen_flags: <defaults>
</compile_context>

<pallas_src>
import functools

import jax
import jax.numpy as jnp
from jax import lax
from jax.experimental import pallas as pl
from jax.experimental.pallas import tpu as pltpu
from jax.experimental.pallas import tpu_sc as plsc


@functools.lru_cache(maxsize=None)
def _make_gather(V, D, B):
    info = plsc.get_sparse_core_info()
    NC, NS, L = info.num_cores, info.num_subcores, info.num_lanes
    NW = NC * NS
    assert B % (8 * NW) == 0 and D % L == 0
    b_per_w = B // NW
    CB = 256
    NCHK = b_per_w // CB
    mesh = plsc.VectorSubcoreMesh(core_axis_name="c", subcore_axis_name="s")

    @functools.partial(
        pl.kernel,
        mesh=mesh,
        out_type=jax.ShapeDtypeStruct((B, D), jnp.float32),
        scratch_types=[
            pltpu.VMEM((b_per_w,), jnp.int32),
            pltpu.VMEM((b_per_w, D), jnp.float32),
            pltpu.SemaphoreType.DMA((NCHK,)),
            pltpu.SemaphoreType.DMA,
        ],
        compiler_params=pltpu.CompilerParams(use_tc_tiling_on_sc=True),
    )
    def gather_kernel(table_hbm, idx_hbm, out_hbm, idx_v, rows_v, gsem, wsem):
        wid = lax.axis_index("s") * NC + lax.axis_index("c")
        base = wid * b_per_w
        pltpu.sync_copy(idx_hbm.at[pl.ds(base, b_per_w)], idx_v)

        def fire(c):
            def body(g, _):
                v = idx_v[pl.ds(g * L, L)]
                for q in range(L):
                    pltpu.async_copy(
                        table_hbm.at[pl.ds(v[q], 1)],
                        rows_v.at[pl.ds(g * L + q, 1)],
                        gsem.at[c],
                    )
                return 0

            lax.fori_loop(c * (CB // L), (c + 1) * (CB // L), body, 0)

        def drain(c):
            pltpu.make_async_copy(
                table_hbm.at[pl.ds(0, CB)],
                rows_v.at[pl.ds(c * CB, CB)],
                gsem.at[c],
            ).wait()

        for c in range(NCHK):
            fire(c)
        writes = []
        for c in range(NCHK):
            drain(c)
            writes.append(
                pltpu.async_copy(
                    rows_v.at[pl.ds(c * CB, CB)],
                    out_hbm.at[pl.ds(base + c * CB, CB)],
                    wsem,
                )
            )
        for w in writes:
            w.wait()

    return gather_kernel


@jax.jit
def kernel(label_ids, table):
    B = label_ids.shape[0]
    V, D = table.shape
    out = _make_gather(V, D, B)(table, label_ids.astype(jnp.int32))
    return out[:, None, :]

# --- scband reference (transcript-rebuilt; emitter-appended) ---
"""Pipeline reference for scband-label-embedding-18880676233789 (READ-ONLY COPY).

The authoritative reference and input builder live on the scoring server;
editing this copy changes nothing except your own understanding.
"""

import jax, jax.numpy as jnp
import numpy as np

NUM_LABELS = 100000
EMBED_DIM = 64
BATCH = 16384

def setup_inputs(seed: int = 0) -> dict:
    key = jax.random.key(seed)
    k_idx, k_tab = jax.random.split(key)
    label_ids = jax.random.randint(k_idx, (BATCH,), 0, NUM_LABELS, dtype=jnp.int64 if jax.config.jax_enable_x64 else jnp.int32)
    table = jax.random.normal(k_tab, (NUM_LABELS, EMBED_DIM), dtype=jnp.float32)
    return {"label_ids": label_ids, "table": table}

def reference(label_ids, table):
    # embeds = self.embedding(label_ids)  -> gather rows
    embeds = jnp.take(table, label_ids, axis=0)
    # embeds = embeds.unsqueeze(1) -> [B, 1, embed_dim]
    embeds = embeds[:, None, :]
    return embeds

if __name__ == "__main__":
    import jax
    _d = setup_inputs()
    print(jax.jit(kernel)(*tuple(_d.values())))

</pallas_src>

<mosaic_0001>
#map = affine_map<(d0, d1) -> (0, 0)>
#map1 = affine_map<(d0, d1) -> (0)>
module attributes {stable_mosaic.version = 14 : i64} {
  func.func @gather_kernel(%arg0: i32, %arg1: i32, %arg2: memref<100000x64xf32, #tpu.memory_space<hbm>>, %arg3: memref<16384xi32, #tpu.memory_space<hbm>>, %arg4: memref<16384x64xf32, #tpu.memory_space<hbm>>, %arg5: memref<512xi32, #tpu.memory_space<vmem>>, %arg6: memref<512x64xf32, #tpu.memory_space<vmem>>, %arg7: memref<2x!tpu.dma_semaphore, #tpu.memory_space<semaphore_mem>>, %arg8: memref<!tpu.dma_semaphore, #tpu.memory_space<semaphore_mem>>) attributes {dimension_semantics = [#tpu.dimension_semantics<core_parallel>, #tpu.dimension_semantics<subcore_parallel>], iteration_bounds = array<i64: 2, 16>, scalar_prefetch = 0 : i64, scratch_operands = 4 : i64, tpu.core_type = #tpu.core_type<sc_vector_subcore>, window_params = [{transform_indices = #map}, {transform_indices = #map1}, {transform_indices = #map}]} {
    %mul3A = arith.constant 2 : i32
    %mul3A_0 = arith.muli %arg1, %mul3A : i32
    %add3A = arith.addi %mul3A_0, %arg0 : i32
    %mul3A_1 = arith.constant 512 : i32
    %mul3A_2 = arith.muli %add3A, %mul3A_1 : i32
    "tpu.region"() ({
      %run_scoped3A = tpu.sem_alloc : memref<!tpu.dma_semaphore, #tpu.memory_space<semaphore_mem>>
      %dma_start3A_88 = tpu.memref_slice %arg3[%mul3A_2] : memref<16384xi32, #tpu.memory_space<hbm>> -> memref<512xi32, #tpu.memory_space<hbm>>
      %dma_start3A_89 = tpu.memref_slice %arg3[%mul3A_2] : memref<16384xi32, #tpu.memory_space<hbm>> -> memref<512xi32, #tpu.memory_space<hbm>>
      tpu.enqueue_dma source(%dma_start3A_89 : memref<512xi32, #tpu.memory_space<hbm>>) target(%arg5 : memref<512xi32, #tpu.memory_space<vmem>>) target_semaphore(%run_scoped3A : memref<!tpu.dma_semaphore, #tpu.memory_space<semaphore_mem>>)
      %dma_wait3A_90 = tpu.memref_slice %arg3[%mul3A_2] : memref<16384xi32, #tpu.memory_space<hbm>> -> memref<512xi32, #tpu.memory_space<hbm>>
      %dma_wait3A_91 = tpu.memref_slice %arg3[%mul3A_2] : memref<16384xi32, #tpu.memory_space<hbm>> -> memref<512xi32, #tpu.memory_space<hbm>>
      tpu.wait_dma2 semaphore(%run_scoped3A : memref<!tpu.dma_semaphore, #tpu.memory_space<semaphore_mem>>) src(%dma_wait3A_91 : memref<512xi32, #tpu.memory_space<hbm>>) dst(%arg5 : memref<512xi32, #tpu.memory_space<vmem>>)
      tpu.yield
    }) : () -> ()
    %scan3A = arith.constant 0 : i32
    %scan3A_3 = arith.constant 0 : i32
    %scan3A_4 = arith.constant 16 : i32
    %scan3A_5 = arith.addi %scan3A_3, %scan3A_4 : i32
    %scan3A_6 = arith.constant 1 : i32
    %scan3A_7 = scf.for %scan3A_88 = %scan3A_3 to %scan3A_5 step %scan3A_6 iter_args(%scan3A_89 = %scan3A) -> (i32)  : i32 {
      %mul3A_90 = arith.constant 16 : i32
      %mul3A_91 = arith.muli %scan3A_88, %mul3A_90 : i32
      %get3A = arith.index_cast %mul3A_91 : i32 to index
      %get3A_92 = tpu.vector_load %arg5[%get3A] {strides = array<i32>} : memref<512xi32, #tpu.memory_space<vmem>>, vector<16xi32>,
      %get3A_93 = vector.shape_cast %get3A_92 : vector<16xi32> to vector<16xi32>
      %slice3A = vector.extract_strided_slice %get3A_93 {offsets = [0], sizes = [1], strides = [1]} : vector<16xi32> to vector<1xi32>
      %squeeze3A = vector.extract %slice3A[0] : i32 from vector<1xi32>
      %mul3A_94 = arith.constant 16 : i32
      %mul3A_95 = arith.muli %scan3A_88, %mul3A_94 : i32
      %add3A_96 = arith.constant 0 : i32
      %add3A_97 = arith.addi %mul3A_95, %add3A_96 : i32
      %dma_start3A_98 = arith.constant 0 : i32
      %dma_start3A_99 = arith.constant 0 : i32
      %dma_start3A_100 = tpu.memref_slice %arg6[%add3A_97, %dma_start3A_99] : memref<512x64xf32, #tpu.memory_space<vmem>> -> memref<1x64xf32, #tpu.memory_space<vmem>>
      %dma_start3A_101 = arith.constant 0 : i32
      %dma_start3A_102 = tpu.memref_slice %arg2[%squeeze3A, %dma_start3A_101] : memref<100000x64xf32, #tpu.memory_space<hbm>> -> memref<1x64xf32, #tpu.memory_space<hbm>>
      %dma_start3A_103 = tpu.memref_slice %arg7[%dma_start3A_98] : memref<2x!tpu.dma_semaphore, #tpu.memory_space<semaphore_mem>> -> memref<1x!tpu.dma_semaphore, #tpu.memory_space<semaphore_mem>>
      %dma_start3A_104 = tpu.memref_squeeze %dma_start3A_103 : memref<1x!tpu.dma_semaphore, #tpu.memory_space<semaphore_mem>> -> memref<!tpu.dma_semaphore, #tpu.memory_space<semaphore_mem>>
      %dma_start3A_105 = arith.constant 0 : i32
      %dma_start3A_106 = tpu.memref_slice %arg6[%add3A_97, %dma_start3A_105] : memref<512x64xf32, #tpu.memory_space<vmem>> -> memref<1x64xf32, #tpu.memory_space<vmem>>
      %dma_start3A_107 = arith.constant 0 : i32
      %dma_start3A_108 = tpu.memref_slice %arg2[%squeeze3A, %dma_start3A_107] : memref<100000x64xf32, #tpu.memory_space<hbm>> -> memref<1x64xf32, #tpu.memory_space<hbm>>
      tpu.enqueue_dma source(%dma_start3A_108 : memref<1x64xf32, #tpu.memory_space<hbm>>) target(%dma_start3A_106 : memref<1x64xf32, #tpu.memory_space<vmem>>) target_semaphore(%dma_start3A_104 : memref<!tpu.dma_semaphore, #tpu.memory_space<semaphore_mem>>)
      %slice3A_109 = vector.extract_strided_slice %get3A_93 {offsets = [1], sizes = [1], strides = [1]} : vector<16xi32> to vector<1xi32>
      %squeeze3A_110 = vector.extract %slice3A_109[0] : i32 from vector<1xi32>
      %mul3A_111 = arith.constant 16 : i32
      %mul3A_112 = arith.muli %scan3A_88, %mul3A_111 : i32
      %add3A_113 = arith.constant 1 : i32
      %add3A_114 = arith.addi %mul3A_112, %add3A_113 : i32
      %dma_start3A_115 = arith.constant 0 : i32
      %dma_start3A_116 = arith.constant 0 : i32
      %dma_start3A_117 = tpu.memref_slice %arg6[%add3A_114, %dma_start3A_116] : memref<512x64xf32, #tpu.memory_space<vmem>> -> memref<1x64xf32, #tpu.memory_space<vmem>>
      %dma_start3A_118 = arith.constant 0 : i32
      %dma_start3A_119 = tpu.memref_slice %arg2[%squeeze3A_110, %dma_start3A_118] : memref<100000x64xf32, #tpu.memory_space<hbm>> -> memref<1x64xf32, #tpu.memory_space<hbm>>
      %dma_start3A_120 = tpu.memref_slice %arg7[%dma_start3A_115] : memref<2x!tpu.dma_semaphore, #tpu.memory_space<semaphore_mem>> -> memref<1x!tpu.dma_semaphore, #tpu.memory_space<semaphore_mem>>
      %dma_start3A_121 = tpu.memref_squeeze %dma_start3A_120 : memref<1x!tpu.dma_semaphore, #tpu.memory_space<semaphore_mem>> -> memref<!tpu.dma_semaphore, #tpu.memory_space<semaphore_mem>>
      %dma_start3A_122 = arith.constant 0 : i32
      %dma_start3A_123 = tpu.memref_slice %arg6[%add3A_114, %dma_start3A_122] : memref<512x64xf32, #tpu.memory_space<vmem>> -> memref<1x64xf32, #tpu.memory_space<vmem>>
      %dma_start3A_124 = arith.constant 0 : i32
      %dma_start3A_125 = tpu.memref_slice %arg2[%squeeze3A_110, %dma_start3A_124] : memref<100000x64xf32, #tpu.memory_space<hbm>> -> memref<1x64xf32, #tpu.memory_space<hbm>>
      tpu.enqueue_dma source(%dma_start3A_125 : memref<1x64xf32, #tpu.memory_space<hbm>>) target(%dma_start3A_123 : memref<1x64xf32, #tpu.memory_space<vmem>>) target_semaphore(%dma_start3A_121 : memref<!tpu.dma_semaphore, #tpu.memory_space<semaphore_mem>>)
      %slice3A_126 = vector.extract_strided_slice %get3A_93 {offsets = [2], sizes = [1], strides = [1]} : vector<16xi32> to vector<1xi32>
      %squeeze3A_127 = vector.extract %slice3A_126[0] : i32 from vector<1xi32>
      %mul3A_128 = arith.constant 16 : i32
      %mul3A_129 = arith.muli %scan3A_88, %mul3A_128 : i32
      %add3A_130 = arith.constant 2 : i32
      %add3A_131 = arith.addi %mul3A_129, %add3A_130 : i32
      %dma_start3A_132 = arith.constant 0 : i32
      %dma_start3A_133 = arith.constant 0 : i32
      %dma_start3A_134 = tpu.memref_slice %arg6[%add3A_131, %dma_start3A_133] : memref<512x64xf32, #tpu.memory_space<vmem>> -> memref<1x64xf32, #tpu.memory_space<vmem>>
      %dma_start3A_135 = arith.constant 0 : i32
      %dma_start3A_136 = tpu.memref_slice %arg2[%squeeze3A_127, %dma_start3A_135] : memref<100000x64xf32, #tpu.memory_space<hbm>> -> memref<1x64xf32, #tpu.memory_space<hbm>>
      %dma_start3A_137 = tpu.memref_slice %arg7[%dma_start3A_132] : memref<2x!tpu.dma_semaphore, #tpu.memory_space<semaphore_mem>> -> memref<1x!tpu.dma_semaphore, #tpu.memory_space<semaphore_mem>>
      %dma_start3A_138 = tpu.memref_squeeze %dma_start3A_137 : memref<1x!tpu.dma_semaphore, #tpu.memory_space<semaphore_mem>> -> memref<!tpu.dma_semaphore, #tpu.memory_space<semaphore_mem>>
      %dma_start3A_139 = arith.constant 0 : i32
      %dma_start3A_140 = tpu.memref_slice %arg6[%add3A_131, %dma_start3A_139] : memref<512x64xf32, #tpu.memory_space<vmem>> -> memref<1x64xf32, #tpu.memory_space<vmem>>
      %dma_start3A_141 = arith.constant 0 : i32
      %dma_start3A_142 = tpu.memref_slice %arg2[%squeeze3A_127, %dma_start3A_141] : memref<100000x64xf32, #tpu.memory_space<hbm>> -> memref<1x64xf32, #tpu.memory_space<hbm>>
      tpu.enqueue_dma source(%dma_start3A_142 : memref<1x64xf32, #tpu.memory_space<hbm>>) target(%dma_start3A_140 : memref<1x64xf32, #tpu.memory_space<vmem>>) target_semaphore(%dma_start3A_138 : memref<!tpu.dma_semaphore, #tpu.memory_space<semaphore_mem>>)
      %slice3A_143 = vector.extract_strided_slice %get3A_93 {offsets = [3], sizes = [1], strides = [1]} : vector<16xi32> to vector<1xi32>
      %squeeze3A_144 = vector.extract %slice3A_143[0] : i32 from vector<1xi32>
      %mul3A_145 = arith.constant 16 : i32
      %mul3A_146 = arith.muli %scan3A_88, %mul3A_145 : i32
      %add3A_147 = arith.constant 3 : i32
      %add3A_148 = arith.addi %mul3A_146, %add3A_147 : i32
      %dma_start3A_149 = arith.constant 0 : i32
      %dma_start3A_150 = arith.constant 0 : i32
      %dma_start3A_151 = tpu.memref_slice %arg6[%add3A_148, %dma_start3A_150] : memref<512x64xf32, #tpu.memory_space<vmem>> -> memref<1x64xf32, #tpu.memory_space<vmem>>
      %dma_start3A_152 = arith.constant 0 : i32
      %dma_start3A_153 = tpu.memref_slice %arg2[%squeeze3A_144, %dma_start3A_152] : memref<100000x64xf32, #tpu.memory_space<hbm>> -> memref<1x64xf32, #tpu.memory_space<hbm>>
      %dma_start3A_154 = tpu.memref_slice %arg7[%dma_start3A_149] : memref<2x!tpu.dma_semaphore, #tpu.memory_space<semaphore_mem>> -> memref<1x!tpu.dma_semaphore, #tpu.memory_space<semaphore_mem>>
      %dma_start3A_155 = tpu.memref_squeeze %dma_start3A_154 : memref<1x!tpu.dma_semaphore, #tpu.memory_space<semaphore_mem>> -> memref<!tpu.dma_semaphore, #tpu.memory_space<semaphore_mem>>
      %dma_start3A_156 = arith.constant 0 : i32
      %dma_start3A_157 = tpu.memref_slice %arg6[%add3A_148, %dma_start3A_156] : memref<512x64xf32, #tpu.memory_space<vmem>> -> memref<1x64xf32, #tpu.memory_space<vmem>>
      %dma_start3A_158 = arith.constant 0 : i32
      %dma_start3A_159 = tpu.memref_slice %arg2[%squeeze3A_144, %dma_start3A_158] : memref<100000x64xf32, #tpu.memory_space<hbm>> -> memref<1x64xf32, #tpu.memory_space<hbm>>
      tpu.enqueue_dma source(%dma_start3A_159 : memref<1x64xf32, #tpu.memory_space<hbm>>) target(%dma_start3A_157 : memref<1x64xf32, #tpu.memory_space<vmem>>) target_semaphore(%dma_start3A_155 : memref<!tpu.dma_semaphore, #tpu.memory_space<semaphore_mem>>)
      %slice3A_160 = vector.extract_strided_slice %get3A_93 {offsets = [4], sizes = [1], strides = [1]} : vector<16xi32> to vector<1xi32>
      %squeeze3A_161 = vector.extract %slice3A_160[0] : i32 from vector<1xi32>
      %mul3A_162 = arith.constant 16 : i32
      %mul3A_163 = arith.muli %scan3A_88, %mul3A_162 : i32
      %add3A_164 = arith.constant 4 : i32
      %add3A_165 = arith.addi %mul3A_163, %add3A_164 : i32
      %dma_start3A_166 = arith.constant 0 : i32
      %dma_start3A_167 = arith.constant 0 : i32
      %dma_start3A_168 = tpu.memref_slice %arg6[%add3A_165, %dma_start3A_167] : memref<512x64xf32, #tpu.memory_space<vmem>> -> memref<1x64xf32, #tpu.memory_space<vmem>>
      %dma_start3A_169 = arith.constant 0 : i32
      %dma_start3A_170 = tpu.memref_slice %arg2[%squeeze3A_161, %dma_start3A_169] : memref<100000x64xf32, #tpu.memory_space<hbm>> -> memref<1x64xf32, #tpu.memory_space<hbm>>
      %dma_start3A_171 = tpu.memref_slice %arg7[%dma_start3A_166] : memref<2x!tpu.dma_semaphore, #tpu.memory_space<semaphore_mem>> -> memref<1x!tpu.dma_semaphore, #tpu.memory_space<semaphore_mem>>
      %dma_start3A_172 = tpu.memref_squeeze %dma_start3A_171 : memref<1x!tpu.dma_semaphore, #tpu.memory_space<semaphore_mem>> -> memref<!tpu.dma_semaphore, #tpu.memory_space<semaphore_mem>>
      %dma_start3A_173 = arith.constant 0 : i32
      %dma_start3A_174 = tpu.memref_slice %arg6[%add3A_165, %dma_start3A_173] : memref<512x64xf32, #tpu.memory_space<vmem>> -> memref<1x64xf32, #tpu.memory_space<vmem>>
      %dma_start3A_175 = arith.constant 0 : i32
      %dma_start3A_176 = tpu.memref_slice %arg2[%squeeze3A_161, %dma_start3A_175] : memref<100000x64xf32, #tpu.memory_space<hbm>> -> memref<1x64xf32, #tpu.memory_space<hbm>>
      tpu.enqueue_dma source(%dma_start3A_176 : memref<1x64xf32, #tpu.memory_space<hbm>>) target(%dma_start3A_174 : memref<1x64xf32, #tpu.memory_space<vmem>>) target_semaphore(%dma_start3A_172 : memref<!tpu.dma_semaphore, #tpu.memory_space<semaphore_mem>>)
      %slice3A_177 = vector.extract_strided_slice %get3A_93 {offsets = [5], sizes = [1], strides = [1]} : vector<16xi32> to vector<1xi32>
      %squeeze3A_178 = vector.extract %slice3A_177[0] : i32 from vector<1xi32>
      %mul3A_179 = arith.constant 16 : i32
      %mul3A_180 = arith.muli %scan3A_88, %mul3A_179 : i32
      %add3A_181 = arith.constant 5 : i32
      %add3A_182 = arith.addi %mul3A_180, %add3A_181 : i32
      %dma_start3A_183 = arith.constant 0 : i32
      %dma_start3A_184 = arith.constant 0 : i32
      %dma_start3A_185 = tpu.memref_slice %arg6[%add3A_182, %dma_start3A_184] : memref<512x64xf32, #tpu.memory_space<vmem>> -> memref<1x64xf32, #tpu.memory_space<vmem>>
      %dma_start3A_186 = arith.constant 0 : i32
      %dma_start3A_187 = tpu.memref_slice %arg2[%squeeze3A_178, %dma_start3A_186] : memref<100000x64xf32, #tpu.memory_space<hbm>> -> memref<1x64xf32, #tpu.memory_space<hbm>>
      %dma_start3A_188 = tpu.memref_slice %arg7[%dma_start3A_183] : memref<2x!tpu.dma_semaphore, #tpu.memory_space<semaphore_mem>> -> memref<1x!tpu.dma_semaphore, #tpu.memory_space<semaphore_mem>>
      %dma_start3A_189 = tpu.memref_squeeze %dma_start3A_188 : memref<1x!tpu.dma_semaphore, #tpu.memory_space<semaphore_mem>> -> memref<!tpu.dma_semaphore, #tpu.memory_space<semaphore_mem>>
      %dma_start3A_190 = arith.constant 0 : i32
      %dma_start3A_191 = tpu.memref_slice %arg6[%add3A_182, %dma_start3A_190] : memref<512x64xf32, #tpu.memory_space<vmem>> -> memref<1x64xf32, #tpu.memory_space<vmem>>
      %dma_start3A_192 = arith.constant 0 : i32
      %dma_start3A_193 = tpu.memref_slice %arg2[%squeeze3A_178, %dma_start3A_192] : memref<100000x64xf32, #tpu.memory_space<hbm>> -> memref<1x64xf32, #tpu.memory_space<hbm>>
      tpu.enqueue_dma source(%dma_start3A_193 : memref<1x64xf32, #tpu.memory_space<hbm>>) target(%dma_start3A_191 : memref<1x64xf32, #tpu.memory_space<vmem>>) target_semaphore(%dma_start3A_189 : memref<!tpu.dma_semaphore, #tpu.memory_space<semaphore_mem>>)
      %slice3A_194 = vector.extract_strided_slice %get3A_93 {offsets = [6], sizes = [1], strides = [1]} : vector<16xi32> to vector<1xi32>
      %squeeze3A_195 = vector.extract %slice3A_194[0] : i32 from vector<1xi32>
      %mul3A_196 = arith.constant 16 : i32
      %mul3A_197 = arith.muli %scan3A_88, %mul3A_196 : i32
      %add3A_198 = arith.constant 6 : i32
      %add3A_199 = arith.addi %mul3A_197, %add3A_198 : i32
      %dma_start3A_200 = arith.constant 0 : i32
      %dma_start3A_201 = arith.constant 0 : i32
      %dma_start3A_202 = tpu.memref_slice %arg6[%add3A_199, %dma_start3A_201] : memref<512x64xf32, #tpu.memory_space<vmem>> -> memref<1x64xf32, #tpu.memory_space<vmem>>
      %dma_start3A_203 = arith.constant 0 : i32
      %dma_start3A_204 = tpu.memref_slice %arg2[%squeeze3A_195, %dma_start3A_203] : memref<100000x64xf32, #tpu.memory_space<hbm>> -> memref<1x64xf32, #tpu.memory_space<hbm>>
      %dma_start3A_205 = tpu.memref_slice %arg7[%dma_start3A_200] : memref<2x!tpu.dma_semaphore, #tpu.memory_space<semaphore_mem>> -> memref<1x!tpu.dma_semaphore, #tpu.memory_space<semaphore_mem>>
      %dma_start3A_206 = tpu.memref_squeeze %dma_start3A_205 : memref<1x!tpu.dma_semaphore, #tpu.memory_space<semaphore_mem>> -> memref<!tpu.dma_semaphore, #tpu.memory_space<semaphore_mem>>
      %dma_start3A_207 = arith.constant 0 : i32
      %dma_start3A_208 = tpu.memref_slice %arg6[%add3A_199, %dma_start3A_207] : memref<512x64xf32, #tpu.memory_space<vmem>> -> memref<1x64xf32, #tpu.memory_space<vmem>>
      %dma_start3A_209 = arith.constant 0 : i32
      %dma_start3A_210 = tpu.memref_slice %arg2[%squeeze3A_195, %dma_start3A_209] : memref<100000x64xf32, #tpu.memory_space<hbm>> -> memref<1x64xf32, #tpu.memory_space<hbm>>
      tpu.enqueue_dma source(%dma_start3A_210 : memref<1x64xf32, #tpu.memory_space<hbm>>) target(%dma_start3A_208 : memref<1x64xf32, #tpu.memory_space<vmem>>) target_semaphore(%dma_start3A_206 : memref<!tpu.dma_semaphore, #tpu.memory_space<semaphore_mem>>)
      %slice3A_211 = vector.extract_strided_slice %get3A_93 {offsets = [7], sizes = [1], strides = [1]} : vector<16xi32> to vector<1xi32>
      %squeeze3A_212 = vector.extract %slice3A_211[0] : i32 from vector<1xi32>
      %mul3A_213 = arith.constant 16 : i32
      %mul3A_214 = arith.muli %scan3A_88, %mul3A_213 : i32
      %add3A_215 = arith.constant 7 : i32
      %add3A_216 = arith.addi %mul3A_214, %add3A_215 : i32
      %dma_start3A_217 = arith.constant 0 : i32
      %dma_start3A_218 = arith.constant 0 : i32
      %dma_start3A_219 = tpu.memref_slice %arg6[%add3A_216, %dma_start3A_218] : memref<512x64xf32, #tpu.memory_space<vmem>> -> memref<1x64xf32, #tpu.memory_space<vmem>>
      %dma_start3A_220 = arith.constant 0 : i32
      %dma_start3A_221 = tpu.memref_slice %arg2[%squeeze3A_212, %dma_start3A_220] : memref<100000x64xf32, #tpu.memory_space<hbm>> -> memref<1x64xf32, #tpu.memory_space<hbm>>
      %dma_start3A_222 = tpu.memref_slice %arg7[%dma_start3A_217] : memref<2x!tpu.dma_semaphore, #tpu.memory_space<semaphore_mem>> -> memref<1x!tpu.dma_semaphore, #tpu.memory_space<semaphore_mem>>
      %dma_start3A_223 = tpu.memref_squeeze %dma_start3A_222 : memref<1x!tpu.dma_semaphore, #tpu.memory_space<semaphore_mem>> -> memref<!tpu.dma_semaphore, #tpu.memory_space<semaphore_mem>>
      %dma_start3A_224 = arith.constant 0 : i32
      %dma_start3A_225 = tpu.memref_slice %arg6[%add3A_216, %dma_start3A_224] : memref<512x64xf32, #tpu.memory_space<vmem>> -> memref<1x64xf32, #tpu.memory_space<vmem>>
      %dma_start3A_226 = arith.constant 0 : i32
      %dma_start3A_227 = tpu.memref_slice %arg2[%squeeze3A_212, %dma_start3A_226] : memref<100000x64xf32, #tpu.memory_space<hbm>> -> memref<1x64xf32, #tpu.memory_space<hbm>>
      tpu.enqueue_dma source(%dma_start3A_227 : memref<1x64xf32, #tpu.memory_space<hbm>>) target(%dma_start3A_225 : memref<1x64xf32, #tpu.memory_space<vmem>>) target_semaphore(%dma_start3A_223 : memref<!tpu.dma_semaphore, #tpu.memory_space<semaphore_mem>>)
      %slice3A_228 = vector.extract_strided_slice %get3A_93 {offsets = [8], sizes = [1], strides = [1]} : vector<16xi32> to vector<1xi32>
      %squeeze3A_229 = vector.extract %slice3A_228[0] : i32 from vector<1xi32>
      %mul3A_230 = arith.constant 16 : i32
      %mul3A_231 = arith.muli %scan3A_88, %mul3A_230 : i32
      %add3A_232 = arith.constant 8 : i32
      %add3A_233 = arith.addi %mul3A_231, %add3A_232 : i32
      %dma_start3A_234 = arith.constant 0 : i32
      %dma_start3A_235 = arith.constant 0 : i32
      %dma_start3A_236 = tpu.memref_slice %arg6[%add3A_233, %dma_start3A_235] : memref<512x64xf32, #tpu.memory_space<vmem>> -> memref<1x64xf32, #tpu.memory_space<vmem>>
      %dma_start3A_237 = arith.constant 0 : i32
      %dma_start3A_238 = tpu.memref_slice %arg2[%squeeze3A_229, %dma_start3A_237] : memref<100000x64xf32, #tpu.memory_space<hbm>> -> memref<1x64xf32, #tpu.memory_space<hbm>>
      %dma_start3A_239 = tpu.memref_slice %arg7[%dma_start3A_234] : memref<2x!tpu.dma_semaphore, #tpu.memory_space<semaphore_mem>> -> memref<1x!tpu.dma_semaphore, #tpu.memory_space<semaphore_mem>>
      %dma_start3A_240 = tpu.memref_squeeze %dma_start3A_239 : memref<1x!tpu.dma_semaphore, #tpu.memory_space<semaphore_mem>> -> memref<!tpu.dma_semaphore, #tpu.memory_space<semaphore_mem>>
      %dma_start3A_241 = arith.constant 0 : i32
      %dma_start3A_242 = tpu.memref_slice %arg6[%add3A_233, %dma_start3A_241] : memref<512x64xf32, #tpu.memory_space<vmem>> -> memref<1x64xf32, #tpu.memory_space<vmem>>
      %dma_start3A_243 = arith.constant 0 : i32
      %dma_start3A_244 = tpu.memref_slice %arg2[%squeeze3A_229, %dma_start3A_243] : memref<100000x64xf32, #tpu.memory_space<hbm>> -> memref<1x64xf32, #tpu.memory_space<hbm>>
      tpu.enqueue_dma source(%dma_start3A_244 : memref<1x64xf32, #tpu.memory_space<hbm>>) target(%dma_start3A_242 : memref<1x64xf32, #tpu.memory_space<vmem>>) target_semaphore(%dma_start3A_240 : memref<!tpu.dma_semaphore, #tpu.memory_space<semaphore_mem>>)
      %slice3A_245 = vector.extract_strided_slice %get3A_93 {offsets = [9], sizes = [1], strides = [1]} : vector<16xi32> to vector<1xi32>
      %squeeze3A_246 = vector.extract %slice3A_245[0] : i32 from vector<1xi32>
      %mul3A_247 = arith.constant 16 : i32
      %mul3A_248 = arith.muli %scan3A_88, %mul3A_247 : i32
      %add3A_249 = arith.constant 9 : i32
      %add3A_250 = arith.addi %mul3A_248, %add3A_249 : i32
      %dma_start3A_251 = arith.constant 0 : i32
      %dma_start3A_252 = arith.constant 0 : i32
      %dma_start3A_253 = tpu.memref_slice %arg6[%add3A_250, %dma_start3A_252] : memref<512x64xf32, #tpu.memory_space<vmem>> -> memref<1x64xf32, #tpu.memory_space<vmem>>
      %dma_start3A_254 = arith.constant 0 : i32
      %dma_start3A_255 = tpu.memref_slice %arg2[%squeeze3A_246, %dma_start3A_254] : memref<100000x64xf32, #tpu.memory_space<hbm>> -> memref<1x64xf32, #tpu.memory_space<hbm>>
      %dma_start3A_256 = tpu.memref_slice %arg7[%dma_start3A_251] : memref<2x!tpu.dma_semaphore, #tpu.memory_space<semaphore_mem>> -> memref<1x!tpu.dma_semaphore, #tpu.memory_space<semaphore_mem>>
      %dma_start3A_257 = tpu.memref_squeeze %dma_start3A_256 : memref<1x!tpu.dma_semaphore, #tpu.memory_space<semaphore_mem>> -> memref<!tpu.dma_semaphore, #tpu.memory_space<semaphore_mem>>
      %dma_start3A_258 = arith.constant 0 : i32
      %dma_start3A_259 = tpu.memref_slice %arg6[%add3A_250, %dma_start3A_258] : memref<512x64xf32, #tpu.memory_space<vmem>> -> memref<1x64xf32, #tpu.memory_space<vmem>>
      %dma_start3A_260 = arith.constant 0 : i32
      %dma_start3A_261 = tpu.memref_slice %arg2[%squeeze3A_246, %dma_start3A_260] : memref<100000x64xf32, #tpu.memory_space<hbm>> -> memref<1x64xf32, #tpu.memory_space<hbm>>
      tpu.enqueue_dma source(%dma_start3A_261 : memref<1x64xf32, #tpu.memory_space<hbm>>) target(%dma_start3A_259 : memref<1x64xf32, #tpu.memory_space<vmem>>) target_semaphore(%dma_start3A_257 : memref<!tpu.dma_semaphore, #tpu.memory_space<semaphore_mem>>)
      %slice3A_262 = vector.extract_strided_slice %get3A_93 {offsets = [10], sizes = [1], strides = [1]} : vector<16xi32> to vector<1xi32>
      %squeeze3A_263 = vector.extract %slice3A_262[0] : i32 from vector<1xi32>
      %mul3A_264 = arith.constant 16 : i32
      %mul3A_265 = arith.muli %scan3A_88, %mul3A_264 : i32
      %add3A_266 = arith.constant 10 : i32
      %add3A_267 = arith.addi %mul3A_265, %add3A_266 : i32
      %dma_start3A_268 = arith.constant 0 : i32
      %dma_start3A_269 = arith.constant 0 : i32
      %dma_start3A_270 = tpu.memref_slice %arg6[%add3A_267, %dma_start3A_269] : memref<512x64xf32, #tpu.memory_space<vmem>> -> memref<1x64xf32, #tpu.memory_space<vmem>>
      %dma_start3A_271 = arith.constant 0 : i32
      %dma_start3A_272 = tpu.memref_slice %arg2[%squeeze3A_263, %dma_start3A_271] : memref<100000x64xf32, #tpu.memory_space<hbm>> -> memref<1x64xf32, #tpu.memory_space<hbm>>
      %dma_start3A_273 = tpu.memref_slice %arg7[%dma_start3A_268] : memref<2x!tpu.dma_semaphore, #tpu.memory_space<semaphore_mem>> -> memref<1x!tpu.dma_semaphore, #tpu.memory_space<semaphore_mem>>
      %dma_start3A_274 = tpu.memref_squeeze %dma_start3A_273 : memref<1x!tpu.dma_semaphore, #tpu.memory_space<semaphore_mem>> -> memref<!tpu.dma_semaphore, #tpu.memory_space<semaphore_mem>>
      %dma_start3A_275 = arith.constant 0 : i32
      %dma_start3A_276 = tpu.memref_slice %arg6[%add3A_267, %dma_start3A_275] : memref<512x64xf32, #tpu.memory_space<vmem>> -> memref<1x64xf32, #tpu.memory_space<vmem>>
      %dma_start3A_277 = arith.constant 0 : i32
      %dma_start3A_278 = tpu.memref_slice %arg2[%squeeze3A_263, %dma_start3A_277] : memref<100000x64xf32, #tpu.memory_space<hbm>> -> memref<1x64xf32, #tpu.memory_space<hbm>>
      tpu.enqueue_dma source(%dma_start3A_278 : memref<1x64xf32, #tpu.memory_space<hbm>>) target(%dma_start3A_276 : memref<1x64xf32, #tpu.memory_space<vmem>>) target_semaphore(%dma_start3A_274 : memref<!tpu.dma_semaphore, #tpu.memory_space<semaphore_mem>>)
      %slice3A_279 = vector.extract_strided_slice %get3A_93 {offsets = [11], sizes = [1], strides = [1]} : vector<16xi32> to vector<1xi32>
      %squeeze3A_280 = vector.extract %slice3A_279[0] : i32 from vector<1xi32>
      %mul3A_281 = arith.constant 16 : i32
      %mul3A_282 = arith.muli %scan3A_88, %mul3A_281 : i32
      %add3A_283 = arith.constant 11 : i32
      %add3A_284 = arith.addi %mul3A_282, %add3A_283 : i32
      %dma_start3A_285 = arith.constant 0 : i32
      %dma_start3A_286 = arith.constant 0 : i32
      %dma_start3A_287 = tpu.memref_slice %arg6[%add3A_284, %dma_start3A_286] : memref<512x64xf32, #tpu.memory_space<vmem>> -> memref<1x64xf32, #tpu.memory_space<vmem>>
      %dma_start3A_288 = arith.constant 0 : i32
      %dma_start3A_289 = tpu.memref_slice %arg2[%squeeze3A_280, %dma_start3A_288] : memref<100000x64xf32, #tpu.memory_space<hbm>> -> memref<1x64xf32, #tpu.memory_space<hbm>>
      %dma_start3A_290 = tpu.memref_slice %arg7[%dma_start3A_285] : memref<2x!tpu.dma_semaphore, #tpu.memory_space<semaphore_mem>> -> memref<1x!tpu.dma_semaphore, #tpu.memory_space<semaphore_mem>>
      %dma_start3A_291 = tpu.memref_squeeze %dma_start3A_290 : memref<1x!tpu.dma_semaphore, #tpu.memory_space<semaphore_mem>> -> memref<!tpu.dma_semaphore, #tpu.memory_space<semaphore_mem>>
      %dma_start3A_292 = arith.constant 0 : i32
      %dma_start3A_293 = tpu.memref_slice %arg6[%add3A_284, %dma_start3A_292] : memref<512x64xf32, #tpu.memory_space<vmem>> -> memref<1x64xf32, #tpu.memory_space<vmem>>
      %dma_start3A_294 = arith.constant 0 : i32
      %dma_start3A_295 = tpu.memref_slice %arg2[%squeeze3A_280, %dma_start3A_294] : memref<100000x64xf32, #tpu.memory_space<hbm>> -> memref<1x64xf32, #tpu.memory_space<hbm>>
      tpu.enqueue_dma source(%dma_start3A_295 : memref<1x64xf32, #tpu.memory_space<hbm>>) target(%dma_start3A_293 : memref<1x64xf32, #tpu.memory_space<vmem>>) target_semaphore(%dma_start3A_291 : memref<!tpu.dma_semaphore, #tpu.memory_space<semaphore_mem>>)
      %slice3A_296 = vector.extract_strided_slice %get3A_93 {offsets = [12], sizes = [1], strides = [1]} : vector<16xi32> to vector<1xi32>
      %squeeze3A_297 = vector.extract %slice3A_296[0] : i32 from vector<1xi32>
      %mul3A_298 = arith.constant 16 : i32
      %mul3A_299 = arith.muli %scan3A_88, %mul3A_298 : i32
      %add3A_300 = arith.constant 12 : i32
      %add3A_301 = arith.addi %mul3A_299, %add3A_300 : i32
      %dma_start3A_302 = arith.constant 0 : i32
      %dma_start3A_303 = arith.constant 0 : i32
      %dma_start3A_304 = tpu.memref_slice %arg6[%add3A_301, %dma_start3A_303] : memref<512x64xf32, #tpu.memory_space<vmem>> -> memref<1x64xf32, #tpu.memory_space<vmem>>
      %dma_start3A_305 = arith.constant 0 : i32
      %dma_start3A_306 = tpu.memref_slice %arg2[%squeeze3A_297, %dma_start3A_305] : memref<100000x64xf32, #tpu.memory_space<hbm>> -> memref<1x64xf32, #tpu.memory_space<hbm>>
      %dma_start3A_307 = tpu.memref_slice %arg7[%dma_start3A_302] : memref<2x!tpu.dma_semaphore, #tpu.memory_space<semaphore_mem>> -> memref<1x!tpu.dma_semaphore, #tpu.memory_space<semaphore_mem>>
      %dma_start3A_308 = tpu.memref_squeeze %dma_start3A_307 : memref<1x!tpu.dma_semaphore, #tpu.memory_space<semaphore_mem>> -> memref<!tpu.dma_semaphore, #tpu.memory_space<semaphore_mem>>
      %dma_start3A_309 = arith.constant 0 : i32
      %dma_start3A_310 = tpu.memref_slice %arg6[%add3A_301, %dma_start3A_309] : memref<512x64xf32, #tpu.memory_space<vmem>> -> memref<1x64xf32, #tpu.memory_space<vmem>>
      %dma_start3A_311 = arith.constant 0 : i32
      %dma_start3A_312 = tpu.memref_slice %arg2[%squeeze3A_297, %dma_start3A_311] : memref<100000x64xf32, #tpu.memory_space<hbm>> -> memref<1x64xf32, #tpu.memory_space<hbm>>
      tpu.enqueue_dma source(%dma_start3A_312 : memref<1x64xf32, #tpu.memory_space<hbm>>) target(%dma_start3A_310 : memref<1x64xf32, #tpu.memory_space<vmem>>) target_semaphore(%dma_start3A_308 : memref<!tpu.dma_semaphore, #tpu.memory_space<semaphore_mem>>)
      %slice3A_313 = vector.extract_strided_slice %get3A_93 {offsets = [13], sizes = [1], strides = [1]} : vector<16xi32> to vector<1xi32>
      %squeeze3A_314 = vector.extract %slice3A_313[0] : i32 from vector<1xi32>
      %mul3A_315 = arith.constant 16 : i32
      %mul3A_316 = arith.muli %scan3A_88, %mul3A_315 : i32
      %add3A_317 = arith.constant 13 : i32
      %add3A_318 = arith.addi %mul3A_316, %add3A_317 : i32
      %dma_start3A_319 = arith.constant 0 : i32
      %dma_start3A_320 = arith.constant 0 : i32
      %dma_start3A_321 = tpu.memref_slice %arg6[%add3A_318, %dma_start3A_320] : memref<512x64xf32, #tpu.memory_space<vmem>> -> memref<1x64xf32, #tpu.memory_space<vmem>>
      %dma_start3A_322 = arith.constant 0 : i32
      %dma_start3A_323 = tpu.memref_slice %arg2[%squeeze3A_314, %dma_start3A_322] : memref<100000x64xf32, #tpu.memory_space<hbm>> -> memref<1x64xf32, #tpu.memory_space<hbm>>
      %dma_start3A_324 = tpu.memref_slice %arg7[%dma_start3A_319] : memref<2x!tpu.dma_semaphore, #tpu.memory_space<semaphore_mem>> -> memref<1x!tpu.dma_semaphore, #tpu.memory_space<semaphore_mem>>
      %dma_start3A_325 = tpu.memref_squeeze %dma_start3A_324 : memref<1x!tpu.dma_semaphore, #tpu.memory_space<semaphore_mem>> -> memref<!tpu.dma_semaphore, #tpu.memory_space<semaphore_mem>>
      %dma_start3A_326 = arith.constant 0 : i32
      %dma_start3A_327 = tpu.memref_slice %arg6[%add3A_318, %dma_start3A_326] : memref<512x64xf32, #tpu.memory_space<vmem>> -> memref<1x64xf32, #tpu.memory_space<vmem>>
      %dma_start3A_328 = arith.constant 0 : i32
      %dma_start3A_329 = tpu.memref_slice %arg2[%squeeze3A_314, %dma_start3A_328] : memref<100000x64xf32, #tpu.memory_space<hbm>> -> memref<1x64xf32, #tpu.memory_space<hbm>>
      tpu.enqueue_dma source(%dma_start3A_329 : memref<1x64xf32, #tpu.memory_space<hbm>>) target(%dma_start3A_327 : memref<1x64xf32, #tpu.memory_space<vmem>>) target_semaphore(%dma_start3A_325 : memref<!tpu.dma_semaphore, #tpu.memory_space<semaphore_mem>>)
      %slice3A_330 = vector.extract_strided_slice %get3A_93 {offsets = [14], sizes = [1], strides = [1]} : vector<16xi32> to vector<1xi32>
      %squeeze3A_331 = vector.extract %slice3A_330[0] : i32 from vector<1xi32>
      %mul3A_332 = arith.constant 16 : i32
      %mul3A_333 = arith.muli %scan3A_88, %mul3A_332 : i32
      %add3A_334 = arith.constant 14 : i32
      %add3A_335 = arith.addi %mul3A_333, %add3A_334 : i32
      %dma_start3A_336 = arith.constant 0 : i32
      %dma_start3A_337 = arith.constant 0 : i32
      %dma_start3A_338 = tpu.memref_slice %arg6[%add3A_335, %dma_start3A_337] : memref<512x64xf32, #tpu.memory_space<vmem>> -> memref<1x64xf32, #tpu.memory_space<vmem>>
      %dma_start3A_339 = arith.constant 0 : i32
      %dma_start3A_340 = tpu.memref_slice %arg2[%squeeze3A_331, %dma_start3A_339] : memref<100000x64xf32, #tpu.memory_space<hbm>> -> memref<1x64xf32, #tpu.memory_space<hbm>>
      %dma_start3A_341 = tpu.memref_slice %arg7[%dma_start3A_336] : memref<2x!tpu.dma_semaphore, #tpu.memory_space<semaphore_mem>> -> memref<1x!tpu.dma_semaphore, #tpu.memory_space<semaphore_mem>>
      %dma_start3A_342 = tpu.memref_squeeze %dma_start3A_341 : memref<1x!tpu.dma_semaphore, #tpu.memory_space<semaphore_mem>> -> memref<!tpu.dma_semaphore, #tpu.memory_space<semaphore_mem>>
      %dma_start3A_343 = arith.constant 0 : i32
      %dma_start3A_344 = tpu.memref_slice %arg6[%add3A_335, %dma_start3A_343] : memref<512x64xf32, #tpu.memory_space<vmem>> -> memref<1x64xf32, #tpu.memory_space<vmem>>
      %dma_start3A_345 = arith.constant 0 : i32
      %dma_start3A_346 = tpu.memref_slice %arg2[%squeeze3A_331, %dma_start3A_345] : memref<100000x64xf32, #tpu.memory_space<hbm>> -> memref<1x64xf32, #tpu.memory_space<hbm>>
      tpu.enqueue_dma source(%dma_start3A_346 : memref<1x64xf32, #tpu.memory_space<hbm>>) target(%dma_start3A_344 : memref<1x64xf32, #tpu.memory_space<vmem>>) target_semaphore(%dma_start3A_342 : memref<!tpu.dma_semaphore, #tpu.memory_space<semaphore_mem>>)
      %slice3A_347 = vector.extract_strided_slice %get3A_93 {offsets = [15], sizes = [1], strides = [1]} : vector<16xi32> to vector<1xi32>
      %squeeze3A_348 = vector.extract %slice3A_347[0] : i32 from vector<1xi32>
      %mul3A_349 = arith.constant 16 : i32
      %mul3A_350 = arith.muli %scan3A_88, %mul3A_349 : i32
      %add3A_351 = arith.constant 15 : i32
      %add3A_352 = arith.addi %mul3A_350, %add3A_351 : i32
      %dma_start3A_353 = arith.constant 0 : i32
      %dma_start3A_354 = arith.constant 0 : i32
      %dma_start3A_355 = tpu.memref_slice %arg6[%add3A_352, %dma_start3A_354] : memref<512x64xf32, #tpu.memory_space<vmem>> -> memref<1x64xf32, #tpu.memory_space<vmem>>
      %dma_start3A_356 = arith.constant 0 : i32
      %dma_start3A_357 = tpu.memref_slice %arg2[%squeeze3A_348, %dma_start3A_356] : memref<100000x64xf32, #tpu.memory_space<hbm>> -> memref<1x64xf32, #tpu.memory_space<hbm>>
      %dma_start3A_358 = tpu.memref_slice %arg7[%dma_start3A_353] : memref<2x!tpu.dma_semaphore, #tpu.memory_space<semaphore_mem>> -> memref<1x!tpu.dma_semaphore, #tpu.memory_space<semaphore_mem>>
      %dma_start3A_359 = tpu.memref_squeeze %dma_start3A_358 : memref<1x!tpu.dma_semaphore, #tpu.memory_space<semaphore_mem>> -> memref<!tpu.dma_semaphore, #tpu.memory_space<semaphore_mem>>
      %dma_start3A_360 = arith.constant 0 : i32
      %dma_start3A_361 = tpu.memref_slice %arg6[%add3A_352, %dma_start3A_360] : memref<512x64xf32, #tpu.memory_space<vmem>> -> memref<1x64xf32, #tpu.memory_space<vmem>>
      %dma_start3A_362 = arith.constant 0 : i32
      %dma_start3A_363 = tpu.memref_slice %arg2[%squeeze3A_348, %dma_start3A_362] : memref<100000x64xf32, #tpu.memory_space<hbm>> -> memref<1x64xf32, #tpu.memory_space<hbm>>
      tpu.enqueue_dma source(%dma_start3A_363 : memref<1x64xf32, #tpu.memory_space<hbm>>) target(%dma_start3A_361 : memref<1x64xf32, #tpu.memory_space<vmem>>) target_semaphore(%dma_start3A_359 : memref<!tpu.dma_semaphore, #tpu.memory_space<semaphore_mem>>)
      %scan3A_364 = arith.constant 0 : i32
      scf.yield %scan3A_364 : i32
    }
    %scan3A_8 = arith.constant 16 : i32
    %scan3A_9 = arith.constant 0 : i32
    %scan3A_10 = arith.constant 16 : i32
    %scan3A_11 = arith.constant 16 : i32
    %scan3A_12 = arith.addi %scan3A_10, %scan3A_11 : i32
    %scan3A_13 = arith.constant 1 : i32
    %scan3A_14 = scf.for %scan3A_88 = %scan3A_10 to %scan3A_12 step %scan3A_13 iter_args(%scan3A_89 = %scan3A_9) -> (i32)  : i32 {
      %mul3A_90 = arith.constant 16 : i32
      %mul3A_91 = arith.muli %scan3A_88, %mul3A_90 : i32
      %get3A = arith.index_cast %mul3A_91 : i32 to index
      %get3A_92 = tpu.vector_load %arg5[%get3A] {strides = array<i32>} : memref<512xi32, #tpu.memory_space<vmem>>, vector<16xi32>,
      %get3A_93 = vector.shape_cast %get3A_92 : vector<16xi32> to vector<16xi32>
      %slice3A = vector.extract_strided_slice %get3A_93 {offsets = [0], sizes = [1], strides = [1]} : vector<16xi32> to vector<1xi32>
      %squeeze3A = vector.extract %slice3A[0] : i32 from vector<1xi32>
      %mul3A_94 = arith.constant 16 : i32
      %mul3A_95 = arith.muli %scan3A_88, %mul3A_94 : i32
      %add3A_96 = arith.constant 0 : i32
      %add3A_97 = arith.addi %mul3A_95, %add3A_96 : i32
      %dma_start3A_98 = arith.constant 1 : i32
      %dma_start3A_99 = arith.constant 0 : i32
      %dma_start3A_100 = tpu.memref_slice %arg6[%add3A_97, %dma_start3A_99] : memref<512x64xf32, #tpu.memory_space<vmem>> -> memref<1x64xf32, #tpu.memory_space<vmem>>
      %dma_start3A_101 = arith.constant 0 : i32
      %dma_start3A_102 = tpu.memref_slice %arg2[%squeeze3A, %dma_start3A_101] : memref<100000x64xf32, #tpu.memory_space<hbm>> -> memref<1x64xf32, #tpu.memory_space<hbm>>
      %dma_start3A_103 = tpu.memref_slice %arg7[%dma_start3A_98] : memref<2x!tpu.dma_semaphore, #tpu.memory_space<semaphore_mem>> -> memref<1x!tpu.dma_semaphore, #tpu.memory_space<semaphore_mem>>
      %dma_start3A_104 = tpu.memref_squeeze %dma_start3A_103 : memref<1x!tpu.dma_semaphore, #tpu.memory_space<semaphore_mem>> -> memref<!tpu.dma_semaphore, #tpu.memory_space<semaphore_mem>>
      %dma_start3A_105 = arith.constant 0 : i32
      %dma_start3A_106 = tpu.memref_slice %arg6[%add3A_97, %dma_start3A_105] : memref<512x64xf32, #tpu.memory_space<vmem>> -> memref<1x64xf32, #tpu.memory_space<vmem>>
      %dma_start3A_107 = arith.constant 0 : i32
      %dma_start3A_108 = tpu.memref_slice %arg2[%squeeze3A, %dma_start3A_107] : memref<100000x64xf32, #tpu.memory_space<hbm>> -> memref<1x64xf32, #tpu.memory_space<hbm>>
      tpu.enqueue_dma source(%dma_start3A_108 : memref<1x64xf32, #tpu.memory_space<hbm>>) target(%dma_start3A_106 : memref<1x64xf32, #tpu.memory_space<vmem>>) target_semaphore(%dma_start3A_104 : memref<!tpu.dma_semaphore, #tpu.memory_space<semaphore_mem>>)
      %slice3A_109 = vector.extract_strided_slice %get3A_93 {offsets = [1], sizes = [1], strides = [1]} : vector<16xi32> to vector<1xi32>
      %squeeze3A_110 = vector.extract %slice3A_109[0] : i32 from vector<1xi32>
      %mul3A_111 = arith.constant 16 : i32
      %mul3A_112 = arith.muli %scan3A_88, %mul3A_111 : i32
      %add3A_113 = arith.constant 1 : i32
      %add3A_114 = arith.addi %mul3A_112, %add3A_113 : i32
      %dma_start3A_115 = arith.constant 1 : i32
      %dma_start3A_116 = arith.constant 0 : i32
      %dma_start3A_117 = tpu.memref_slice %arg6[%add3A_114, %dma_start3A_116] : memref<512x64xf32, #tpu.memory_space<vmem>> -> memref<1x64xf32, #tpu.memory_space<vmem>>
      %dma_start3A_118 = arith.constant 0 : i32
      %dma_start3A_119 = tpu.memref_slice %arg2[%squeeze3A_110, %dma_start3A_118] : memref<100000x64xf32, #tpu.memory_space<hbm>> -> memref<1x64xf32, #tpu.memory_space<hbm>>
      %dma_start3A_120 = tpu.memref_slice %arg7[%dma_start3A_115] : memref<2x!tpu.dma_semaphore, #tpu.memory_space<semaphore_mem>> -> memref<1x!tpu.dma_semaphore, #tpu.memory_space<semaphore_mem>>
      %dma_start3A_121 = tpu.memref_squeeze %dma_start3A_120 : memref<1x!tpu.dma_semaphore, #tpu.memory_space<semaphore_mem>> -> memref<!tpu.dma_semaphore, #tpu.memory_space<semaphore_mem>>
      %dma_start3A_122 = arith.constant 0 : i32
      %dma_start3A_123 = tpu.memref_slice %arg6[%add3A_114, %dma_start3A_122] : memref<512x64xf32, #tpu.memory_space<vmem>> -> memref<1x64xf32, #tpu.memory_space<vmem>>
      %dma_start3A_124 = arith.constant 0 : i32
      %dma_start3A_125 = tpu.memref_slice %arg2[%squeeze3A_110, %dma_start3A_124] : memref<100000x64xf32, #tpu.memory_space<hbm>> -> memref<1x64xf32, #tpu.memory_space<hbm>>
      tpu.enqueue_dma source(%dma_start3A_125 : memref<1x64xf32, #tpu.memory_space<hbm>>) target(%dma_start3A_123 : memref<1x64xf32, #tpu.memory_space<vmem>>) target_semaphore(%dma_start3A_121 : memref<!tpu.dma_semaphore, #tpu.memory_space<semaphore_mem>>)
      %slice3A_126 = vector.extract_strided_slice %get3A_93 {offsets = [2], sizes = [1], strides = [1]} : vector<16xi32> to vector<1xi32>
      %squeeze3A_127 = vector.extract %slice3A_126[0] : i32 from vector<1xi32>
      %mul3A_128 = arith.constant 16 : i32
      %mul3A_129 = arith.muli %scan3A_88, %mul3A_128 : i32
      %add3A_130 = arith.constant 2 : i32
      %add3A_131 = arith.addi %mul3A_129, %add3A_130 : i32
      %dma_start3A_132 = arith.constant 1 : i32
      %dma_start3A_133 = arith.constant 0 : i32
      %dma_start3A_134 = tpu.memref_slice %arg6[%add3A_131, %dma_start3A_133] : memref<512x64xf32, #tpu.memory_space<vmem>> -> memref<1x64xf32, #tpu.memory_space<vmem>>
      %dma_start3A_135 = arith.constant 0 : i32
      %dma_start3A_136 = tpu.memref_slice %arg2[%squeeze3A_127, %dma_start3A_135] : memref<100000x64xf32, #tpu.memory_space<hbm>> -> memref<1x64xf32, #tpu.memory_space<hbm>>
      %dma_start3A_137 = tpu.memref_slice %arg7[%dma_start3A_132] : memref<2x!tpu.dma_semaphore, #tpu.memory_space<semaphore_mem>> -> memref<1x!tpu.dma_semaphore, #tpu.memory_space<semaphore_mem>>
      %dma_start3A_138 = tpu.memref_squeeze %dma_start3A_137 : memref<1x!tpu.dma_semaphore, #tpu.memory_space<semaphore_mem>> -> memref<!tpu.dma_semaphore, #tpu.memory_space<semaphore_mem>>
      %dma_start3A_139 = arith.constant 0 : i32
      %dma_start3A_140 = tpu.memref_slice %arg6[%add3A_131, %dma_start3A_139] : memref<512x64xf32, #tpu.memory_space<vmem>> -> memref<1x64xf32, #tpu.memory_space<vmem>>
      %dma_start3A_141 = arith.constant 0 : i32
      %dma_start3A_142 = tpu.memref_slice %arg2[%squeeze3A_127, %dma_start3A_141] : memref<100000x64xf32, #tpu.memory_space<hbm>> -> memref<1x64xf32, #tpu.memory_space<hbm>>
      tpu.enqueue_dma source(%dma_start3A_142 : memref<1x64xf32, #tpu.memory_space<hbm>>) target(%dma_start3A_140 : memref<1x64xf32, #tpu.memory_space<vmem>>) target_semaphore(%dma_start3A_138 : memref<!tpu.dma_semaphore, #tpu.memory_space<semaphore_mem>>)
      %slice3A_143 = vector.extract_strided_slice %get3A_93 {offsets = [3], sizes = [1], strides = [1]} : vector<16xi32> to vector<1xi32>
      %squeeze3A_144 = vector.extract %slice3A_143[0] : i32 from vector<1xi32>
      %mul3A_145 = arith.constant 16 : i32
      %mul3A_146 = arith.muli %scan3A_88, %mul3A_145 : i32
      %add3A_147 = arith.constant 3 : i32
      %add3A_148 = arith.addi %mul3A_146, %add3A_147 : i32
      %dma_start3A_149 = arith.constant 1 : i32
      %dma_start3A_150 = arith.constant 0 : i32
      %dma_start3A_151 = tpu.memref_slice %arg6[%add3A_148, %dma_start3A_150] : memref<512x64xf32, #tpu.memory_space<vmem>> -> memref<1x64xf32, #tpu.memory_space<vmem>>
      %dma_start3A_152 = arith.constant 0 : i32
      %dma_start3A_153 = tpu.memref_slice %arg2[%squeeze3A_144, %dma_start3A_152] : memref<100000x64xf32, #tpu.memory_space<hbm>> -> memref<1x64xf32, #tpu.memory_space<hbm>>
      %dma_start3A_154 = tpu.memref_slice %arg7[%dma_start3A_149] : memref<2x!tpu.dma_semaphore, #tpu.memory_space<semaphore_mem>> -> memref<1x!tpu.dma_semaphore, #tpu.memory_space<semaphore_mem>>
      %dma_start3A_155 = tpu.memref_squeeze %dma_start3A_154 : memref<1x!tpu.dma_semaphore, #tpu.memory_space<semaphore_mem>> -> memref<!tpu.dma_semaphore, #tpu.memory_space<semaphore_mem>>
      %dma_start3A_156 = arith.constant 0 : i32
      %dma_start3A_157 = tpu.memref_slice %arg6[%add3A_148, %dma_start3A_156] : memref<512x64xf32, #tpu.memory_space<vmem>> -> memref<1x64xf32, #tpu.memory_space<vmem>>
      %dma_start3A_158 = arith.constant 0 : i32
      %dma_start3A_159 = tpu.memref_slice %arg2[%squeeze3A_144, %dma_start3A_158] : memref<100000x64xf32, #tpu.memory_space<hbm>> -> memref<1x64xf32, #tpu.memory_space<hbm>>
      tpu.enqueue_dma source(%dma_start3A_159 : memref<1x64xf32, #tpu.memory_space<hbm>>) target(%dma_start3A_157 : memref<1x64xf32, #tpu.memory_space<vmem>>) target_semaphore(%dma_start3A_155 : memref<!tpu.dma_semaphore, #tpu.memory_space<semaphore_mem>>)
      %slice3A_160 = vector.extract_strided_slice %get3A_93 {offsets = [4], sizes = [1], strides = [1]} : vector<16xi32> to vector<1xi32>
      %squeeze3A_161 = vector.extract %slice3A_160[0] : i32 from vector<1xi32>
      %mul3A_162 = arith.constant 16 : i32
      %mul3A_163 = arith.muli %scan3A_88, %mul3A_162 : i32
      %add3A_164 = arith.constant 4 : i32
      %add3A_165 = arith.addi %mul3A_163, %add3A_164 : i32
      %dma_start3A_166 = arith.constant 1 : i32
      %dma_start3A_167 = arith.constant 0 : i32
      %dma_start3A_168 = tpu.memref_slice %arg6[%add3A_165, %dma_start3A_167] : memref<512x64xf32, #tpu.memory_space<vmem>> -> memref<1x64xf32, #tpu.memory_space<vmem>>
      %dma_start3A_169 = arith.constant 0 : i32
      %dma_start3A_170 = tpu.memref_slice %arg2[%squeeze3A_161, %dma_start3A_169] : memref<100000x64xf32, #tpu.memory_space<hbm>> -> memref<1x64xf32, #tpu.memory_space<hbm>>
      %dma_start3A_171 = tpu.memref_slice %arg7[%dma_start3A_166] : memref<2x!tpu.dma_semaphore, #tpu.memory_space<semaphore_mem>> -> memref<1x!tpu.dma_semaphore, #tpu.memory_space<semaphore_mem>>
      %dma_start3A_172 = tpu.memref_squeeze %dma_start3A_171 : memref<1x!tpu.dma_semaphore, #tpu.memory_space<semaphore_mem>> -> memref<!tpu.dma_semaphore, #tpu.memory_space<semaphore_mem>>
      %dma_start3A_173 = arith.constant 0 : i32
      %dma_start3A_174 = tpu.memref_slice %arg6[%add3A_165, %dma_start3A_173] : memref<512x64xf32, #tpu.memory_space<vmem>> -> memref<1x64xf32, #tpu.memory_space<vmem>>
      %dma_start3A_175 = arith.constant 0 : i32
      %dma_start3A_176 = tpu.memref_slice %arg2[%squeeze3A_161, %dma_start3A_175] : memref<100000x64xf32, #tpu.memory_space<hbm>> -> memref<1x64xf32, #tpu.memory_space<hbm>>
      tpu.enqueue_dma source(%dma_start3A_176 : memref<1x64xf32, #tpu.memory_space<hbm>>) target(%dma_start3A_174 : memref<1x64xf32, #tpu.memory_space<vmem>>) target_semaphore(%dma_start3A_172 : memref<!tpu.dma_semaphore, #tpu.memory_space<semaphore_mem>>)
      %slice3A_177 = vector.extract_strided_slice %get3A_93 {offsets = [5], sizes = [1], strides = [1]} : vector<16xi32> to vector<1xi32>
      %squeeze3A_178 = vector.extract %slice3A_177[0] : i32 from vector<1xi32>
      %mul3A_179 = arith.constant 16 : i32
      %mul3A_180 = arith.muli %scan3A_88, %mul3A_179 : i32
      %add3A_181 = arith.constant 5 : i32
      %add3A_182 = arith.addi %mul3A_180, %add3A_181 : i32
      %dma_start3A_183 = arith.constant 1 : i32
      %dma_start3A_184 = arith.constant 0 : i32
      %dma_start3A_185 = tpu.memref_slice %arg6[%add3A_182, %dma_start3A_184] : memref<512x64xf32, #tpu.memory_space<vmem>> -> memref<1x64xf32, #tpu.memory_space<vmem>>
      %dma_start3A_186 = arith.constant 0 : i32
      %dma_start3A_187 = tpu.memref_slice %arg2[%squeeze3A_178, %dma_start3A_186] : memref<100000x64xf32, #tpu.memory_space<hbm>> -> memref<1x64xf32, #tpu.memory_space<hbm>>
      %dma_start3A_188 = tpu.memref_slice %arg7[%dma_start3A_183] : memref<2x!tpu.dma_semaphore, #tpu.memory_space<semaphore_mem>> -> memref<1x!tpu.dma_semaphore, #tpu.memory_space<semaphore_mem>>
      %dma_start3A_189 = tpu.memref_squeeze %dma_start3A_188 : memref<1x!tpu.dma_semaphore, #tpu.memory_space<semaphore_mem>> -> memref<!tpu.dma_semaphore, #tpu.memory_space<semaphore_mem>>
      %dma_start3A_190 = arith.constant 0 : i32
      %dma_start3A_191 = tpu.memref_slice %arg6[%add3A_182, %dma_start3A_190] : memref<512x64xf32, #tpu.memory_space<vmem>> -> memref<1x64xf32, #tpu.memory_space<vmem>>
      %dma_start3A_192 = arith.constant 0 : i32
      %dma_start3A_193 = tpu.memref_slice %arg2[%squeeze3A_178, %dma_start3A_192] : memref<100000x64xf32, #tpu.memory_space<hbm>> -> memref<1x64xf32, #tpu.memory_space<hbm>>
      tpu.enqueue_dma source(%dma_start3A_193 : memref<1x64xf32, #tpu.memory_space<hbm>>) target(%dma_start3A_191 : memref<1x64xf32, #tpu.memory_space<vmem>>) target_semaphore(%dma_start3A_189 : memref<!tpu.dma_semaphore, #tpu.memory_space<semaphore_mem>>)
      %slice3A_194 = vector.extract_strided_slice %get3A_93 {offsets = [6], sizes = [1], strides = [1]} : vector<16xi32> to vector<1xi32>
      %squeeze3A_195 = vector.extract %slice3A_194[0] : i32 from vector<1xi32>
      %mul3A_196 = arith.constant 16 : i32
      %mul3A_197 = arith.muli %scan3A_88, %mul3A_196 : i32
      %add3A_198 = arith.constant 6 : i32
      %add3A_199 = arith.addi %mul3A_197, %add3A_198 : i32
      %dma_start3A_200 = arith.constant 1 : i32
      %dma_start3A_201 = arith.constant 0 : i32
      %dma_start3A_202 = tpu.memref_slice %arg6[%add3A_199, %dma_start3A_201] : memref<512x64xf32, #tpu.memory_space<vmem>> -> memref<1x64xf32, #tpu.memory_space<vmem>>
      %dma_start3A_203 = arith.constant 0 : i32
      %dma_start3A_204 = tpu.memref_slice %arg2[%squeeze3A_195, %dma_start3A_203] : memref<100000x64xf32, #tpu.memory_space<hbm>> -> memref<1x64xf32, #tpu.memory_space<hbm>>
      %dma_start3A_205 = tpu.memref_slice %arg7[%dma_start3A_200] : memref<2x!tpu.dma_semaphore, #tpu.memory_space<semaphore_mem>> -> memref<1x!tpu.dma_semaphore, #tpu.memory_space<semaphore_mem>>
      %dma_start3A_206 = tpu.memref_squeeze %dma_start3A_205 : memref<1x!tpu.dma_semaphore, #tpu.memory_space<semaphore_mem>> -> memref<!tpu.dma_semaphore, #tpu.memory_space<semaphore_mem>>
      %dma_start3A_207 = arith.constant 0 : i32
      %dma_start3A_208 = tpu.memref_slice %arg6[%add3A_199, %dma_start3A_207] : memref<512x64xf32, #tpu.memory_space<vmem>> -> memref<1x64xf32, #tpu.memory_space<vmem>>
      %dma_start3A_209 = arith.constant 0 : i32
      %dma_start3A_210 = tpu.memref_slice %arg2[%squeeze3A_195, %dma_start3A_209] : memref<100000x64xf32, #tpu.memory_space<hbm>> -> memref<1x64xf32, #tpu.memory_space<hbm>>
      tpu.enqueue_dma source(%dma_start3A_210 : memref<1x64xf32, #tpu.memory_space<hbm>>) target(%dma_start3A_208 : memref<1x64xf32, #tpu.memory_space<vmem>>) target_semaphore(%dma_start3A_206 : memref<!tpu.dma_semaphore, #tpu.memory_space<semaphore_mem>>)
      %slice3A_211 = vector.extract_strided_slice %get3A_93 {offsets = [7], sizes = [1], strides = [1]} : vector<16xi32> to vector<1xi32>
      %squeeze3A_212 = vector.extract %slice3A_211[0] : i32 from vector<1xi32>
      %mul3A_213 = arith.constant 16 : i32
      %mul3A_214 = arith.muli %scan3A_88, %mul3A_213 : i32
      %add3A_215 = arith.constant 7 : i32
      %add3A_216 = arith.addi %mul3A_214, %add3A_215 : i32
      %dma_start3A_217 = arith.constant 1 : i32
      %dma_start3A_218 = arith.constant 0 : i32
      %dma_start3A_219 = tpu.memref_slice %arg6[%add3A_216, %dma_start3A_218] : memref<512x64xf32, #tpu.memory_space<vmem>> -> memref<1x64xf32, #tpu.memory_space<vmem>>
      %dma_start3A_220 = arith.constant 0 : i32
      %dma_start3A_221 = tpu.memref_slice %arg2[%squeeze3A_212, %dma_start3A_220] : memref<100000x64xf32, #tpu.memory_space<hbm>> -> memref<1x64xf32, #tpu.memory_space<hbm>>
      %dma_start3A_222 = tpu.memref_slice %arg7[%dma_start3A_217] : memref<2x!tpu.dma_semaphore, #tpu.memory_space<semaphore_mem>> -> memref<1x!tpu.dma_semaphore, #tpu.memory_space<semaphore_mem>>
      %dma_start3A_223 = tpu.memref_squeeze %dma_start3A_222 : memref<1x!tpu.dma_semaphore, #tpu.memory_space<semaphore_mem>> -> memref<!tpu.dma_semaphore, #tpu.memory_space<semaphore_mem>>
      %dma_start3A_224 = arith.constant 0 : i32
      %dma_start3A_225 = tpu.memref_slice %arg6[%add3A_216, %dma_start3A_224] : memref<512x64xf32, #tpu.memory_space<vmem>> -> memref<1x64xf32, #tpu.memory_space<vmem>>
      %dma_start3A_226 = arith.constant 0 : i32
      %dma_start3A_227 = tpu.memref_slice %arg2[%squeeze3A_212, %dma_start3A_226] : memref<100000x64xf32, #tpu.memory_space<hbm>> -> memref<1x64xf32, #tpu.memory_space<hbm>>
      tpu.enqueue_dma source(%dma_start3A_227 : memref<1x64xf32, #tpu.memory_space<hbm>>) target(%dma_start3A_225 : memref<1x64xf32, #tpu.memory_space<vmem>>) target_semaphore(%dma_start3A_223 : memref<!tpu.dma_semaphore, #tpu.memory_space<semaphore_mem>>)
      %slice3A_228 = vector.extract_strided_slice %get3A_93 {offsets = [8], sizes = [1], strides = [1]} : vector<16xi32> to vector<1xi32>
      %squeeze3A_229 = vector.extract %slice3A_228[0] : i32 from vector<1xi32>
      %mul3A_230 = arith.constant 16 : i32
      %mul3A_231 = arith.muli %scan3A_88, %mul3A_230 : i32
      %add3A_232 = arith.constant 8 : i32
      %add3A_233 = arith.addi %mul3A_231, %add3A_232 : i32
      %dma_start3A_234 = arith.constant 1 : i32
      %dma_start3A_235 = arith.constant 0 : i32
      %dma_start3A_236 = tpu.memref_slice %arg6[%add3A_233, %dma_start3A_235] : memref<512x64xf32, #tpu.memory_space<vmem>> -> memref<1x64xf32, #tpu.memory_space<vmem>>
      %dma_start3A_237 = arith.constant 0 : i32
      %dma_start3A_238 = tpu.memref_slice %arg2[%squeeze3A_229, %dma_start3A_237] : memref<100000x64xf32, #tpu.memory_space<hbm>> -> memref<1x64xf32, #tpu.memory_space<hbm>>
      %dma_start3A_239 = tpu.memref_slice %arg7[%dma_start3A_234] : memref<2x!tpu.dma_semaphore, #tpu.memory_space<semaphore_mem>> -> memref<1x!tpu.dma_semaphore, #tpu.memory_space<semaphore_mem>>
      %dma_start3A_240 = tpu.memref_squeeze %dma_start3A_239 : memref<1x!tpu.dma_semaphore, #tpu.memory_space<semaphore_mem>> -> memref<!tpu.dma_semaphore, #tpu.memory_space<semaphore_mem>>
      %dma_start3A_241 = arith.constant 0 : i32
      %dma_start3A_242 = tpu.memref_slice %arg6[%add3A_233, %dma_start3A_241] : memref<512x64xf32, #tpu.memory_space<vmem>> -> memref<1x64xf32, #tpu.memory_space<vmem>>
      %dma_start3A_243 = arith.constant 0 : i32
      %dma_start3A_244 = tpu.memref_slice %arg2[%squeeze3A_229, %dma_start3A_243] : memref<100000x64xf32, #tpu.memory_space<hbm>> -> memref<1x64xf32, #tpu.memory_space<hbm>>
      tpu.enqueue_dma source(%dma_start3A_244 : memref<1x64xf32, #tpu.memory_space<hbm>>) target(%dma_start3A_242 : memref<1x64xf32, #tpu.memory_space<vmem>>) target_semaphore(%dma_start3A_240 : memref<!tpu.dma_semaphore, #tpu.memory_space<semaphore_mem>>)
      %slice3A_245 = vector.extract_strided_slice %get3A_93 {offsets = [9], sizes = [1], strides = [1]} : vector<16xi32> to vector<1xi32>
      %squeeze3A_246 = vector.extract %slice3A_245[0] : i32 from vector<1xi32>
      %mul3A_247 = arith.constant 16 : i32
      %mul3A_248 = arith.muli %scan3A_88, %mul3A_247 : i32
      %add3A_249 = arith.constant 9 : i32
      %add3A_250 = arith.addi %mul3A_248, %add3A_249 : i32
      %dma_start3A_251 = arith.constant 1 : i32
      %dma_start3A_252 = arith.constant 0 : i32
      %dma_start3A_253 = tpu.memref_slice %arg6[%add3A_250, %dma_start3A_252] : memref<512x64xf32, #tpu.memory_space<vmem>> -> memref<1x64xf32, #tpu.memory_space<vmem>>
      %dma_start3A_254 = arith.constant 0 : i32
      %dma_start3A_255 = tpu.memref_slice %arg2[%squeeze3A_246, %dma_start3A_254] : memref<100000x64xf32, #tpu.memory_space<hbm>> -> memref<1x64xf32, #tpu.memory_space<hbm>>
      %dma_start3A_256 = tpu.memref_slice %arg7[%dma_start3A_251] : memref<2x!tpu.dma_semaphore, #tpu.memory_space<semaphore_mem>> -> memref<1x!tpu.dma_semaphore, #tpu.memory_space<semaphore_mem>>
      %dma_start3A_257 = tpu.memref_squeeze %dma_start3A_256 : memref<1x!tpu.dma_semaphore, #tpu.memory_space<semaphore_mem>> -> memref<!tpu.dma_semaphore, #tpu.memory_space<semaphore_mem>>
      %dma_start3A_258 = arith.constant 0 : i32
      %dma_start3A_259 = tpu.memref_slice %arg6[%add3A_250, %dma_start3A_258] : memref<512x64xf32, #tpu.memory_space<vmem>> -> memref<1x64xf32, #tpu.memory_space<vmem>>
      %dma_start3A_260 = arith.constant 0 : i32
      %dma_start3A_261 = tpu.memref_slice %arg2[%squeeze3A_246, %dma_start3A_260] : memref<100000x64xf32, #tpu.memory_space<hbm>> -> memref<1x64xf32, #tpu.memory_space<hbm>>
      tpu.enqueue_dma source(%dma_start3A_261 : memref<1x64xf32, #tpu.memory_space<hbm>>) target(%dma_start3A_259 : memref<1x64xf32, #tpu.memory_space<vmem>>) target_semaphore(%dma_start3A_257 : memref<!tpu.dma_semaphore, #tpu.memory_space<semaphore_mem>>)
      %slice3A_262 = vector.extract_strided_slice %get3A_93 {offsets = [10], sizes = [1], strides = [1]} : vector<16xi32> to vector<1xi32>
      %squeeze3A_263 = vector.extract %slice3A_262[0] : i32 from vector<1xi32>
      %mul3A_264 = arith.constant 16 : i32
      %mul3A_265 = arith.muli %scan3A_88, %mul3A_264 : i32
      %add3A_266 = arith.constant 10 : i32
      %add3A_267 = arith.addi %mul3A_265, %add3A_266 : i32
      %dma_start3A_268 = arith.constant 1 : i32
      %dma_start3A_269 = arith.constant 0 : i32
      %dma_start3A_270 = tpu.memref_slice %arg6[%add3A_267, %dma_start3A_269] : memref<512x64xf32, #tpu.memory_space<vmem>> -> memref<1x64xf32, #tpu.memory_space<vmem>>
      %dma_start3A_271 = arith.constant 0 : i32
      %dma_start3A_272 = tpu.memref_slice %arg2[%squeeze3A_263, %dma_start3A_271] : memref<100000x64xf32, #tpu.memory_space<hbm>> -> memref<1x64xf32, #tpu.memory_space<hbm>>
      %dma_start3A_273 = tpu.memref_slice %arg7[%dma_start3A_268] : memref<2x!tpu.dma_semaphore, #tpu.memory_space<semaphore_mem>> -> memref<1x!tpu.dma_semaphore, #tpu.memory_space<semaphore_mem>>
      %dma_start3A_274 = tpu.memref_squeeze %dma_start3A_273 : memref<1x!tpu.dma_semaphore, #tpu.memory_space<semaphore_mem>> -> memref<!tpu.dma_semaphore, #tpu.memory_space<semaphore_mem>>
      %dma_start3A_275 = arith.constant 0 : i32
      %dma_start3A_276 = tpu.memref_slice %arg6[%add3A_267, %dma_start3A_275] : memref<512x64xf32, #tpu.memory_space<vmem>> -> memref<1x64xf32, #tpu.memory_space<vmem>>
      %dma_start3A_277 = arith.constant 0 : i32
      %dma_start3A_278 = tpu.memref_slice %arg2[%squeeze3A_263, %dma_start3A_277] : memref<100000x64xf32, #tpu.memory_space<hbm>> -> memref<1x64xf32, #tpu.memory_space<hbm>>
      tpu.enqueue_dma source(%dma_start3A_278 : memref<1x64xf32, #tpu.memory_space<hbm>>) target(%dma_start3A_276 : memref<1x64xf32, #tpu.memory_space<vmem>>) target_semaphore(%dma_start3A_274 : memref<!tpu.dma_semaphore, #tpu.memory_space<semaphore_mem>>)
      %slice3A_279 = vector.extract_strided_slice %get3A_93 {offsets = [11], sizes = [1], strides = [1]} : vector<16xi32> to vector<1xi32>
      %squeeze3A_280 = vector.extract %slice3A_279[0] : i32 from vector<1xi32>
      %mul3A_281 = arith.constant 16 : i32
      %mul3A_282 = arith.muli %scan3A_88, %mul3A_281 : i32
      %add3A_283 = arith.constant 11 : i32
      %add3A_284 = arith.addi %mul3A_282, %add3A_283 : i32
      %dma_start3A_285 = arith.constant 1 : i32
      %dma_start3A_286 = arith.constant 0 : i32
      %dma_start3A_287 = tpu.memref_slice %arg6[%add3A_284, %dma_start3A_286] : memref<512x64xf32, #tpu.memory_space<vmem>> -> memref<1x64xf32, #tpu.memory_space<vmem>>
      %dma_start3A_288 = arith.constant 0 : i32
      %dma_start3A_289 = tpu.memref_slice %arg2[%squeeze3A_280, %dma_start3A_288] : memref<100000x64xf32, #tpu.memory_space<hbm>> -> memref<1x64xf32, #tpu.memory_space<hbm>>
      %dma_start3A_290 = tpu.memref_slice %arg7[%dma_start3A_285] : memref<2x!tpu.dma_semaphore, #tpu.memory_space<semaphore_mem>> -> memref<1x!tpu.dma_semaphore, #tpu.memory_space<semaphore_mem>>
      %dma_start3A_291 = tpu.memref_squeeze %dma_start3A_290 : memref<1x!tpu.dma_semaphore, #tpu.memory_space<semaphore_mem>> -> memref<!tpu.dma_semaphore, #tpu.memory_space<semaphore_mem>>
      %dma_start3A_292 = arith.constant 0 : i32
      %dma_start3A_293 = tpu.memref_slice %arg6[%add3A_284, %dma_start3A_292] : memref<512x64xf32, #tpu.memory_space<vmem>> -> memref<1x64xf32, #tpu.memory_space<vmem>>
      %dma_start3A_294 = arith.constant 0 : i32
      %dma_start3A_295 = tpu.memref_slice %arg2[%squeeze3A_280, %dma_start3A_294] : memref<100000x64xf32, #tpu.memory_space<hbm>> -> memref<1x64xf32, #tpu.memory_space<hbm>>
      tpu.enqueue_dma source(%dma_start3A_295 : memref<1x64xf32, #tpu.memory_space<hbm>>) target(%dma_start3A_293 : memref<1x64xf32, #tpu.memory_space<vmem>>) target_semaphore(%dma_start3A_291 : memref<!tpu.dma_semaphore, #tpu.memory_space<semaphore_mem>>)
      %slice3A_296 = vector.extract_strided_slice %get3A_93 {offsets = [12], sizes = [1], strides = [1]} : vector<16xi32> to vector<1xi32>
      %squeeze3A_297 = vector.extract %slice3A_296[0] : i32 from vector<1xi32>
      %mul3A_298 = arith.constant 16 : i32
      %mul3A_299 = arith.muli %scan3A_88, %mul3A_298 : i32
      %add3A_300 = arith.constant 12 : i32
      %add3A_301 = arith.addi %mul3A_299, %add3A_300 : i32
      %dma_start3A_302 = arith.constant 1 : i32
      %dma_start3A_303 = arith.constant 0 : i32
      %dma_start3A_304 = tpu.memref_slice %arg6[%add3A_301, %dma_start3A_303] : memref<512x64xf32, #tpu.memory_space<vmem>> -> memref<1x64xf32, #tpu.memory_space<vmem>>
      %dma_start3A_305 = arith.constant 0 : i32
      %dma_start3A_306 = tpu.memref_slice %arg2[%squeeze3A_297, %dma_start3A_305] : memref<100000x64xf32, #tpu.memory_space<hbm>> -> memref<1x64xf32, #tpu.memory_space<hbm>>
      %dma_start3A_307 = tpu.memref_slice %arg7[%dma_start3A_302] : memref<2x!tpu.dma_semaphore, #tpu.memory_space<semaphore_mem>> -> memref<1x!tpu.dma_semaphore, #tpu.memory_space<semaphore_mem>>
      %dma_start3A_308 = tpu.memref_squeeze %dma_start3A_307 : memref<1x!tpu.dma_semaphore, #tpu.memory_space<semaphore_mem>> -> memref<!tpu.dma_semaphore, #tpu.memory_space<semaphore_mem>>
      %dma_start3A_309 = arith.constant 0 : i32
      %dma_start3A_310 = tpu.memref_slice %arg6[%add3A_301, %dma_start3A_309] : memref<512x64xf32, #tpu.memory_space<vmem>> -> memref<1x64xf32, #tpu.memory_space<vmem>>
      %dma_start3A_311 = arith.constant 0 : i32
      %dma_start3A_312 = tpu.memref_slice %arg2[%squeeze3A_297, %dma_start3A_311] : memref<100000x64xf32, #tpu.memory_space<hbm>> -> memref<1x64xf32, #tpu.memory_space<hbm>>
      tpu.enqueue_dma source(%dma_start3A_312 : memref<1x64xf32, #tpu.memory_space<hbm>>) target(%dma_start3A_310 : memref<1x64xf32, #tpu.memory_space<vmem>>) target_semaphore(%dma_start3A_308 : memref<!tpu.dma_semaphore, #tpu.memory_space<semaphore_mem>>)
      %slice3A_313 = vector.extract_strided_slice %get3A_93 {offsets = [13], sizes = [1], strides = [1]} : vector<16xi32> to vector<1xi32>
      %squeeze3A_314 = vector.extract %slice3A_313[0] : i32 from vector<1xi32>
      %mul3A_315 = arith.constant 16 : i32
      %mul3A_316 = arith.muli %scan3A_88, %mul3A_315 : i32
      %add3A_317 = arith.constant 13 : i32
      %add3A_318 = arith.addi %mul3A_316, %add3A_317 : i32
      %dma_start3A_319 = arith.constant 1 : i32
      %dma_start3A_320 = arith.constant 0 : i32
      %dma_start3A_321 = tpu.memref_slice %arg6[%add3A_318, %dma_start3A_320] : memref<512x64xf32, #tpu.memory_space<vmem>> -> memref<1x64xf32, #tpu.memory_space<vmem>>
      %dma_start3A_322 = arith.constant 0 : i32
      %dma_start3A_323 = tpu.memref_slice %arg2[%squeeze3A_314, %dma_start3A_322] : memref<100000x64xf32, #tpu.memory_space<hbm>> -> memref<1x64xf32, #tpu.memory_space<hbm>>
      %dma_start3A_324 = tpu.memref_slice %arg7[%dma_start3A_319] : memref<2x!tpu.dma_semaphore, #tpu.memory_space<semaphore_mem>> -> memref<1x!tpu.dma_semaphore, #tpu.memory_space<semaphore_mem>>
      %dma_start3A_325 = tpu.memref_squeeze %dma_start3A_324 : memref<1x!tpu.dma_semaphore, #tpu.memory_space<semaphore_mem>> -> memref<!tpu.dma_semaphore, #tpu.memory_space<semaphore_mem>>
      %dma_start3A_326 = arith.constant 0 : i32
      %dma_start3A_327 = tpu.memref_slice %arg6[%add3A_318, %dma_start3A_326] : memref<512x64xf32, #tpu.memory_space<vmem>> -> memref<1x64xf32, #tpu.memory_space<vmem>>
      %dma_start3A_328 = arith.constant 0 : i32
      %dma_start3A_329 = tpu.memref_slice %arg2[%squeeze3A_314, %dma_start3A_328] : memref<100000x64xf32, #tpu.memory_space<hbm>> -> memref<1x64xf32, #tpu.memory_space<hbm>>
      tpu.enqueue_dma source(%dma_start3A_329 : memref<1x64xf32, #tpu.memory_space<hbm>>) target(%dma_start3A_327 : memref<1x64xf32, #tpu.memory_space<vmem>>) target_semaphore(%dma_start3A_325 : memref<!tpu.dma_semaphore, #tpu.memory_space<semaphore_mem>>)
      %slice3A_330 = vector.extract_strided_slice %get3A_93 {offsets = [14], sizes = [1], strides = [1]} : vector<16xi32> to vector<1xi32>
      %squeeze3A_331 = vector.extract %slice3A_330[0] : i32 from vector<1xi32>
      %mul3A_332 = arith.constant 16 : i32
      %mul3A_333 = arith.muli %scan3A_88, %mul3A_332 : i32
      %add3A_334 = arith.constant 14 : i32
      %add3A_335 = arith.addi %mul3A_333, %add3A_334 : i32
      %dma_start3A_336 = arith.constant 1 : i32
      %dma_start3A_337 = arith.constant 0 : i32
      %dma_start3A_338 = tpu.memref_slice %arg6[%add3A_335, %dma_start3A_337] : memref<512x64xf32, #tpu.memory_space<vmem>> -> memref<1x64xf32, #tpu.memory_space<vmem>>
      %dma_start3A_339 = arith.constant 0 : i32
      %dma_start3A_340 = tpu.memref_slice %arg2[%squeeze3A_331, %dma_start3A_339] : memref<100000x64xf32, #tpu.memory_space<hbm>> -> memref<1x64xf32, #tpu.memory_space<hbm>>
      %dma_start3A_341 = tpu.memref_slice %arg7[%dma_start3A_336] : memref<2x!tpu.dma_semaphore, #tpu.memory_space<semaphore_mem>> -> memref<1x!tpu.dma_semaphore, #tpu.memory_space<semaphore_mem>>
      %dma_start3A_342 = tpu.memref_squeeze %dma_start3A_341 : memref<1x!tpu.dma_semaphore, #tpu.memory_space<semaphore_mem>> -> memref<!tpu.dma_semaphore, #tpu.memory_space<semaphore_mem>>
      %dma_start3A_343 = arith.constant 0 : i32
      %dma_start3A_344 = tpu.memref_slice %arg6[%add3A_335, %dma_start3A_343] : memref<512x64xf32, #tpu.memory_space<vmem>> -> memref<1x64xf32, #tpu.memory_space<vmem>>
      %dma_start3A_345 = arith.constant 0 : i32
      %dma_start3A_346 = tpu.memref_slice %arg2[%squeeze3A_331, %dma_start3A_345] : memref<100000x64xf32, #tpu.memory_space<hbm>> -> memref<1x64xf32, #tpu.memory_space<hbm>>
      tpu.enqueue_dma source(%dma_start3A_346 : memref<1x64xf32, #tpu.memory_space<hbm>>) target(%dma_start3A_344 : memref<1x64xf32, #tpu.memory_space<vmem>>) target_semaphore(%dma_start3A_342 : memref<!tpu.dma_semaphore, #tpu.memory_space<semaphore_mem>>)
      %slice3A_347 = vector.extract_strided_slice %get3A_93 {offsets = [15], sizes = [1], strides = [1]} : vector<16xi32> to vector<1xi32>
      %squeeze3A_348 = vector.extract %slice3A_347[0] : i32 from vector<1xi32>
      %mul3A_349 = arith.constant 16 : i32
      %mul3A_350 = arith.muli %scan3A_88, %mul3A_349 : i32
      %add3A_351 = arith.constant 15 : i32
      %add3A_352 = arith.addi %mul3A_350, %add3A_351 : i32
      %dma_start3A_353 = arith.constant 1 : i32
      %dma_start3A_354 = arith.constant 0 : i32
      %dma_start3A_355 = tpu.memref_slice %arg6[%add3A_352, %dma_start3A_354] : memref<512x64xf32, #tpu.memory_space<vmem>> -> memref<1x64xf32, #tpu.memory_space<vmem>>
      %dma_start3A_356 = arith.constant 0 : i32
      %dma_start3A_357 = tpu.memref_slice %arg2[%squeeze3A_348, %dma_start3A_356] : memref<100000x64xf32, #tpu.memory_space<hbm>> -> memref<1x64xf32, #tpu.memory_space<hbm>>
      %dma_start3A_358 = tpu.memref_slice %arg7[%dma_start3A_353] : memref<2x!tpu.dma_semaphore, #tpu.memory_space<semaphore_mem>> -> memref<1x!tpu.dma_semaphore, #tpu.memory_space<semaphore_mem>>
      %dma_start3A_359 = tpu.memref_squeeze %dma_start3A_358 : memref<1x!tpu.dma_semaphore, #tpu.memory_space<semaphore_mem>> -> memref<!tpu.dma_semaphore, #tpu.memory_space<semaphore_mem>>
      %dma_start3A_360 = arith.constant 0 : i32
      %dma_start3A_361 = tpu.memref_slice %arg6[%add3A_352, %dma_start3A_360] : memref<512x64xf32, #tpu.memory_space<vmem>> -> memref<1x64xf32, #tpu.memory_space<vmem>>
      %dma_start3A_362 = arith.constant 0 : i32
      %dma_start3A_363 = tpu.memref_slice %arg2[%squeeze3A_348, %dma_start3A_362] : memref<100000x64xf32, #tpu.memory_space<hbm>> -> memref<1x64xf32, #tpu.memory_space<hbm>>
      tpu.enqueue_dma source(%dma_start3A_363 : memref<1x64xf32, #tpu.memory_space<hbm>>) target(%dma_start3A_361 : memref<1x64xf32, #tpu.memory_space<vmem>>) target_semaphore(%dma_start3A_359 : memref<!tpu.dma_semaphore, #tpu.memory_space<semaphore_mem>>)
      %scan3A_364 = arith.constant 0 : i32
      scf.yield %scan3A_364 : i32
    }
    %scan3A_15 = arith.constant 16 : i32
    %dma_wait3A = arith.constant 0 : i32
    %dma_wait3A_16 = arith.constant 0 : i32
    %dma_wait3A_17 = arith.constant 0 : i32
    %dma_wait3A_18 = tpu.memref_slice %arg6[%dma_wait3A_16, %dma_wait3A_17] : memref<512x64xf32, #tpu.memory_space<vmem>> -> memref<256x64xf32, #tpu.memory_space<vmem>>
    %dma_wait3A_19 = arith.constant 0 : i32
    %dma_wait3A_20 = arith.constant 0 : i32
    %dma_wait3A_21 = tpu.memref_slice %arg2[%dma_wait3A_19, %dma_wait3A_20] : memref<100000x64xf32, #tpu.memory_space<hbm>> -> memref<256x64xf32, #tpu.memory_space<hbm>>
    %dma_wait3A_22 = tpu.memref_slice %arg7[%dma_wait3A] : memref<2x!tpu.dma_semaphore, #tpu.memory_space<semaphore_mem>> -> memref<1x!tpu.dma_semaphore, #tpu.memory_space<semaphore_mem>>
    %dma_wait3A_23 = tpu.memref_squeeze %dma_wait3A_22 : memref<1x!tpu.dma_semaphore, #tpu.memory_space<semaphore_mem>> -> memref<!tpu.dma_semaphore, #tpu.memory_space<semaphore_mem>>
    %dma_wait3A_24 = arith.constant 0 : i32
    %dma_wait3A_25 = arith.constant 0 : i32
    %dma_wait3A_26 = tpu.memref_slice %arg6[%dma_wait3A_24, %dma_wait3A_25] : memref<512x64xf32, #tpu.memory_space<vmem>> -> memref<256x64xf32, #tpu.memory_space<vmem>>
    %dma_wait3A_27 = arith.constant 0 : i32
    %dma_wait3A_28 = arith.constant 0 : i32
    %dma_wait3A_29 = tpu.memref_slice %arg2[%dma_wait3A_27, %dma_wait3A_28] : memref<100000x64xf32, #tpu.memory_space<hbm>> -> memref<256x64xf32, #tpu.memory_space<hbm>>
    tpu.wait_dma2 semaphore(%dma_wait3A_23 : memref<!tpu.dma_semaphore, #tpu.memory_space<semaphore_mem>>) src(%dma_wait3A_29 : memref<256x64xf32, #tpu.memory_space<hbm>>) dst(%dma_wait3A_26 : memref<256x64xf32, #tpu.memory_space<vmem>>)
    %add3A_30 = arith.constant 0 : i32
    %add3A_31 = arith.addi %mul3A_2, %add3A_30 : i32
    %dma_start3A = arith.constant 0 : i32
    %dma_start3A_32 = arith.constant 0 : i32
    %dma_start3A_33 = tpu.memref_slice %arg6[%dma_start3A, %dma_start3A_32] : memref<512x64xf32, #tpu.memory_space<vmem>> -> memref<256x64xf32, #tpu.memory_space<vmem>>
    %dma_start3A_34 = arith.constant 0 : i32
    %dma_start3A_35 = tpu.memref_slice %arg4[%add3A_31, %dma_start3A_34] : memref<16384x64xf32, #tpu.memory_space<hbm>> -> memref<256x64xf32, #tpu.memory_space<hbm>>
    %dma_start3A_36 = arith.constant 0 : i32
    %dma_start3A_37 = tpu.memref_slice %arg4[%add3A_31, %dma_start3A_36] : memref<16384x64xf32, #tpu.memory_space<hbm>> -> memref<256x64xf32, #tpu.memory_space<hbm>>
    %dma_start3A_38 = arith.constant 0 : i32
    %dma_start3A_39 = arith.constant 0 : i32
    %dma_start3A_40 = tpu.memref_slice %arg6[%dma_start3A_38, %dma_start3A_39] : memref<512x64xf32, #tpu.memory_space<vmem>> -> memref<256x64xf32, #tpu.memory_space<vmem>>
    tpu.enqueue_dma source(%dma_start3A_40 : memref<256x64xf32, #tpu.memory_space<vmem>>) target(%dma_start3A_37 : memref<256x64xf32, #tpu.memory_space<hbm>>) target_semaphore(%arg8 : memref<!tpu.dma_semaphore, #tpu.memory_space<semaphore_mem>>)
    %dma_wait3A_41 = arith.constant 1 : i32
    %dma_wait3A_42 = arith.constant 256 : i32
    %dma_wait3A_43 = arith.constant 0 : i32
    %dma_wait3A_44 = tpu.memref_slice %arg6[%dma_wait3A_42, %dma_wait3A_43] : memref<512x64xf32, #tpu.memory_space<vmem>> -> memref<256x64xf32, #tpu.memory_space<vmem>>
    %dma_wait3A_45 = arith.constant 0 : i32
    %dma_wait3A_46 = arith.constant 0 : i32
    %dma_wait3A_47 = tpu.memref_slice %arg2[%dma_wait3A_45, %dma_wait3A_46] : memref<100000x64xf32, #tpu.memory_space<hbm>> -> memref<256x64xf32, #tpu.memory_space<hbm>>
    %dma_wait3A_48 = tpu.memref_slice %arg7[%dma_wait3A_41] : memref<2x!tpu.dma_semaphore, #tpu.memory_space<semaphore_mem>> -> memref<1x!tpu.dma_semaphore, #tpu.memory_space<semaphore_mem>>
    %dma_wait3A_49 = tpu.memref_squeeze %dma_wait3A_48 : memref<1x!tpu.dma_semaphore, #tpu.memory_space<semaphore_mem>> -> memref<!tpu.dma_semaphore, #tpu.memory_space<semaphore_mem>>
    %dma_wait3A_50 = arith.constant 256 : i32
    %dma_wait3A_51 = arith.constant 0 : i32
    %dma_wait3A_52 = tpu.memref_slice %arg6[%dma_wait3A_50, %dma_wait3A_51] : memref<512x64xf32, #tpu.memory_space<vmem>> -> memref<256x64xf32, #tpu.memory_space<vmem>>
    %dma_wait3A_53 = arith.constant 0 : i32
    %dma_wait3A_54 = arith.constant 0 : i32
    %dma_wait3A_55 = tpu.memref_slice %arg2[%dma_wait3A_53, %dma_wait3A_54] : memref<100000x64xf32, #tpu.memory_space<hbm>> -> memref<256x64xf32, #tpu.memory_space<hbm>>
    tpu.wait_dma2 semaphore(%dma_wait3A_49 : memref<!tpu.dma_semaphore, #tpu.memory_space<semaphore_mem>>) src(%dma_wait3A_55 : memref<256x64xf32, #tpu.memory_space<hbm>>) dst(%dma_wait3A_52 : memref<256x64xf32, #tpu.memory_space<vmem>>)
    %add3A_56 = arith.constant 256 : i32
    %add3A_57 = arith.addi %mul3A_2, %add3A_56 : i32
    %dma_start3A_58 = arith.constant 256 : i32
    %dma_start3A_59 = arith.constant 0 : i32
    %dma_start3A_60 = tpu.memref_slice %arg6[%dma_start3A_58, %dma_start3A_59] : memref<512x64xf32, #tpu.memory_space<vmem>> -> memref<256x64xf32, #tpu.memory_space<vmem>>
    %dma_start3A_61 = arith.constant 0 : i32
    %dma_start3A_62 = tpu.memref_slice %arg4[%add3A_57, %dma_start3A_61] : memref<16384x64xf32, #tpu.memory_space<hbm>> -> memref<256x64xf32, #tpu.memory_space<hbm>>
    %dma_start3A_63 = arith.constant 0 : i32
    %dma_start3A_64 = tpu.memref_slice %arg4[%add3A_57, %dma_start3A_63] : memref<16384x64xf32, #tpu.memory_space<hbm>> -> memref<256x64xf32, #tpu.memory_space<hbm>>
    %dma_start3A_65 = arith.constant 256 : i32
    %dma_start3A_66 = arith.constant 0 : i32
    %dma_start3A_67 = tpu.memref_slice %arg6[%dma_start3A_65, %dma_start3A_66] : memref<512x64xf32, #tpu.memory_space<vmem>> -> memref<256x64xf32, #tpu.memory_space<vmem>>
    tpu.enqueue_dma source(%dma_start3A_67 : memref<256x64xf32, #tpu.memory_space<vmem>>) target(%dma_start3A_64 : memref<256x64xf32, #tpu.memory_space<hbm>>) target_semaphore(%arg8 : memref<!tpu.dma_semaphore, #tpu.memory_space<semaphore_mem>>)
    %dma_wait3A_68 = arith.constant 0 : i32
    %dma_wait3A_69 = arith.constant 0 : i32
    %dma_wait3A_70 = tpu.memref_slice %arg6[%dma_wait3A_68, %dma_wait3A_69] : memref<512x64xf32, #tpu.memory_space<vmem>> -> memref<256x64xf32, #tpu.memory_space<vmem>>
    %dma_wait3A_71 = arith.constant 0 : i32
    %dma_wait3A_72 = tpu.memref_slice %arg4[%add3A_31, %dma_wait3A_71] : memref<16384x64xf32, #tpu.memory_space<hbm>> -> memref<256x64xf32, #tpu.memory_space<hbm>>
    %dma_wait3A_73 = arith.constant 0 : i32
    %dma_wait3A_74 = tpu.memref_slice %arg4[%add3A_31, %dma_wait3A_73] : memref<16384x64xf32, #tpu.memory_space<hbm>> -> memref<256x64xf32, #tpu.memory_space<hbm>>
    %dma_wait3A_75 = arith.constant 0 : i32
    %dma_wait3A_76 = arith.constant 0 : i32
    %dma_wait3A_77 = tpu.memref_slice %arg6[%dma_wait3A_75, %dma_wait3A_76] : memref<512x64xf32, #tpu.memory_space<vmem>> -> memref<256x64xf32, #tpu.memory_space<vmem>>
    tpu.wait_dma2 semaphore(%arg8 : memref<!tpu.dma_semaphore, #tpu.memory_space<semaphore_mem>>) src(%dma_wait3A_77 : memref<256x64xf32, #tpu.memory_space<vmem>>) dst(%dma_wait3A_74 : memref<256x64xf32, #tpu.memory_space<hbm>>)
    %dma_wait3A_78 = arith.constant 256 : i32
    %dma_wait3A_79 = arith.constant 0 : i32
    %dma_wait3A_80 = tpu.memref_slice %arg6[%dma_wait3A_78, %dma_wait3A_79] : memref<512x64xf32, #tpu.memory_space<vmem>> -> memref<256x64xf32, #tpu.memory_space<vmem>>
    %dma_wait3A_81 = arith.constant 0 : i32
    %dma_wait3A_82 = tpu.memref_slice %arg4[%add3A_57, %dma_wait3A_81] : memref<16384x64xf32, #tpu.memory_space<hbm>> -> memref<256x64xf32, #tpu.memory_space<hbm>>
    %dma_wait3A_83 = arith.constant 0 : i32
    %dma_wait3A_84 = tpu.memref_slice %arg4[%add3A_57, %dma_wait3A_83] : memref<16384x64xf32, #tpu.memory_space<hbm>> -> memref<256x64xf32, #tpu.memory_space<hbm>>
    %dma_wait3A_85 = arith.constant 256 : i32
    %dma_wait3A_86 = arith.constant 0 : i32
    %dma_wait3A_87 = tpu.memref_slice %arg6[%dma_wait3A_85, %dma_wait3A_86] : memref<512x64xf32, #tpu.memory_space<vmem>> -> memref<256x64xf32, #tpu.memory_space<vmem>>
    tpu.wait_dma2 semaphore(%arg8 : memref<!tpu.dma_semaphore, #tpu.memory_space<semaphore_mem>>) src(%dma_wait3A_87 : memref<256x64xf32, #tpu.memory_space<vmem>>) dst(%dma_wait3A_84 : memref<256x64xf32, #tpu.memory_space<hbm>>)
    return
  }
}

</mosaic_0001>

<sc_bundles>
// kernel: kernel.3.cloned.1.call-start
scs
__scs_entry_jumppad:
0x0: {  	(pc) =	sbr.rel $0x88, $3  }
0x1: {  	(tag) =	ssettag $0x0;
	lr =	simm.s32 $0x1  }
0x2: {  	[smem:$0x3F9F] =	sst lr;
	_ =	strace $0xD0000000  }
0x3: {  	_ = 	snop  }
0x4: {  	_ = 	snop  }
0x5: {  	_ = 	snop  }
0x6: {  	_ = 	snop  }
0x7: {  	_ = 	snop  }
__scs_overlays_trampoline_lowered:
0x8: {  	[smem:$0x3FAE] =	sst s0  }
0x9: {  	[smem:$0x3FAF] =	sst s1  }
0xa: {  	[smem:$0x3FB0] =	sst s2  }
0xb: {  	[smem:$0x3FB1] =	sst s3  }
0xc: {  	[smem:$0x3FB2] =	sst s4  }
0xd: {  	[smem:$0x3FB3] =	sst s5  }
0xe: {  	[smem:$0x3FB4] =	sst s6  }
0xf: {  	[smem:$0x3FB5] =	sst s7  }
0x10: {  	[smem:$0x3FB6] =	sst s8  }
0x11: {  	[smem:$0x3FB7] =	sst s9;
	s0 =	simm.s32 @!p0 $0x0  }
0x12: {  	s1 =	sld [smem:$0x3F9D];
	s0 =	simm.s32 @p0 $0x1  }
0x13: {  	[smem:$0x3FB8] =	sst s0;
	s0 =	simm.s32 @!p1 $0x0  }
0x14: {  	s2 =	sld [smem:$0x3F9C];
	s0 =	simm.s32 @p1 $0x1  }
0x15: {  	[smem:$0x3FB9] =	sst s0;
	s0 =	simm.s32 @!p2 $0x0  }
0x16: {  	s3 =	sld [smem:$0x3FDB];
	s0 =	simm.s32 @p2 $0x1  }
0x17: {  	s4 =	simm.s32 $0x1BF5;
	[smem:$0x3FBB] =	sst s0  }
0x18: {  	s0 =	sld [smem:$0x3F9E];
	_ =	swait.ge [sflag:s4], $0x0  }
0x19: {  	s7 =	sld [smem:$0x3F9F]  }
0x1a: {  	s8 =	sadd.s32 $0xFFFFE003, lr  }
0x1b: {  	s9 =	sadd.s32 $0xFFFFFEF7, lr;
	s5 =	simm.s32 $0xFFFFFFFF;
	p2 =	slt.u32 s8, $0xFFFFF086  }
0x1c: {  	p1 =	slt.u32 s9, $0xF7A;
	s5 =	simm.s32 @!p2 $0x0  }
0x1d: {  	s5 =	simm.s32 @p1 $0x1;
	p0 =	seq.s32 s7, s2  }
0x1e: {  	s7 =	smul.u32 @!p0 $0xF7A, s2;
	p2 =	seq.s32 @!p0 s5, $0x0  }
0x1f: {  	s9 =	smul.u32 $0xF7A, s1;
	s8 =	simm.s32 @!p0 $0x1BF5;
	p2 =	por !p2, p0  }
0x20: {  	[sflag:s8] =	ssyncset.s32 @!p0 $0xFFFFF086;
	s6 =	sadd.s32 @!p0 s3, s7;
	s7 =	simm.s32 @!p0 $0x108  }
0x21: {  	s3 =	sadd.s32 s3, s9;
	s6 =	sadd.s32 @!p0 $0x88, s6;
	s7 =	simm.s32 @p2 $0x1082  }
0x22: {  	[simem:s7], [sflag:s8] =	dma.local @!p0 [hbm:s6], $0xF7A  }
0x23: {  	s9 =	sor.u32 $0xD0000000, s2;
	s6 =	simm.s32 $0x108;
	_ =	swait.ge @!p0 [sflag:s8], $0x0  }
0x24: {  	s3 =	sadd.s32 $0x88, s3;
	s6 =	simm.s32 @!p1 $0x1082;
	[sflag:s4] =	ssyncset.s32 $0xFFFFF086  }
0x25: {  	[simem:s6], [sflag:s4] =	dma.local [hbm:s3], $0xF7A  }
0x26: {  	[smem:$0x3F9F] =	sst s1;
	(tag) =	ssettag s2;
	_ =	strace s9  }
0x27: {  	s1 =	sld [smem:$0x3FAF]  }
0x28: {  	s2 =	sld [smem:$0x3FB0]  }
0x29: {  	s4 =	sld [smem:$0x3FB2]  }
0x2a: {  	p0 =	seq.s32 s5, $0x0;
	s5 =	sld [smem:$0x3FB3]  }
0x2b: {  	s6 =	sld [smem:$0x3FB4]  }
0x2c: {  	s7 =	sld [smem:$0x3FB5]  }
0x2d: {  	s3 =	simm.s32 $0x108;
	s8 =	sld [smem:$0x3FB6]  }
0x2e: {  	s3 =	simm.s32 @!p0 $0x1082;
	s9 =	sld [smem:$0x3FB7]  }
0x2f: {  	lr =	sadd.s32 s0, s3;
	s0 =	sld [smem:$0x3FAE]  }
0x30: {  	s3 =	sld [smem:$0x3FB1]  }
0x31: {  	[smem:$0x3FBA] =	sst s10  }
0x32: {  	s10 =	sld [smem:$0x3FB8];
	_ =	sdelay $0x3  }
0x33: {  	p0 =	seq.s32 s10, $0x1;
	s10 =	sld [smem:$0x3FBA];
	_ =	sdelay $0x3  }
0x34: {  	[smem:$0x3FBA] =	sst s10  }
0x35: {  	s10 =	sld [smem:$0x3FB9];
	_ =	sdelay $0x3  }
0x36: {  	p1 =	seq.s32 s10, $0x1;
	s10 =	sld [smem:$0x3FBA];
	_ =	sdelay $0x3  }
0x37: {  	[smem:$0x3FBA] =	sst s10  }
0x38: {  	s10 =	sld [smem:$0x3FBB]  }
0x39: {  	_ = 	snop;
	(pc) =	sbr.ind lr, $3  }
0x3a: {  	_ = 	snop  }
0x3b: {  	_ = 	snop  }
0x3c: {  	p2 =	seq.s32 s10, $0x1;
	s10 =	sld [smem:$0x3FBA]  }
0x3d: {  	_ =	shalt  }
0x3e: {  	_ =	shalt  }
0x3f: {  	_ =	shalt  }
0x40: {  	_ =	shalt  }
0x41: {  	_ =	shalt  }
0x42: {  	_ =	shalt  }
0x43: {  	_ =	shalt  }
0x44: {  	_ =	shalt  }
0x45: {  	_ =	shalt  }
0x46: {  	_ =	shalt  }
0x47: {  	_ =	shalt  }
0x48: {  	_ =	shalt  }
0x49: {  	_ =	shalt  }
0x4a: {  	_ =	shalt  }
0x4b: {  	_ =	shalt  }
0x4c: {  	_ =	shalt  }
0x4d: {  	_ =	shalt  }
0x4e: {  	_ =	shalt  }
0x4f: {  	_ =	shalt  }
0x50: {  	_ =	shalt  }
0x51: {  	_ =	shalt  }
0x52: {  	_ =	shalt  }
0x53: {  	_ =	shalt  }
0x54: {  	_ =	shalt  }
0x55: {  	_ =	shalt  }
0x56: {  	_ =	shalt  }
0x57: {  	_ =	shalt  }
0x58: {  	_ =	shalt  }
0x59: {  	_ =	shalt  }
0x5a: {  	_ =	shalt  }
0x5b: {  	_ =	shalt  }
0x5c: {  	_ =	shalt  }
0x5d: {  	_ =	shalt  }
0x5e: {  	_ =	shalt  }
0x5f: {  	_ =	shalt  }
0x60: {  	_ =	shalt  }
0x61: {  	_ =	shalt  }
0x62: {  	_ =	shalt  }
0x63: {  	_ =	shalt  }
0x64: {  	_ =	shalt  }
0x65: {  	_ =	shalt  }
0x66: {  	_ =	shalt  }
0x67: {  	_ =	shalt  }
0x68: {  	_ =	shalt  }
0x69: {  	_ =	shalt  }
0x6a: {  	_ =	shalt  }
0x6b: {  	_ =	shalt  }
0x6c: {  	_ =	shalt  }
0x6d: {  	_ =	shalt  }
0x6e: {  	_ =	shalt  }
0x6f: {  	_ =	shalt  }
0x70: {  	_ =	shalt  }
0x71: {  	_ =	shalt  }
0x72: {  	_ =	shalt  }
0x73: {  	_ =	shalt  }
0x74: {  	_ =	shalt  }
0x75: {  	_ =	shalt  }
0x76: {  	_ =	shalt  }
0x77: {  	_ =	shalt  }
0x78: {  	_ =	shalt  }
0x79: {  	_ =	shalt  }
0x7a: {  	_ =	shalt  }
0x7b: {  	_ =	shalt  }
0x7c: {  	_ =	shalt  }
0x7d: {  	_ =	shalt  }
0x7e: {  	_ =	shalt  }
0x7f: {  	_ =	shalt  }
0x80: {  	_ =	shalt  }
0x81: {  	_ =	shalt  }
0x82: {  	_ =	shalt  }
0x83: {  	_ =	shalt  }
0x84: {  	_ =	shalt  }
0x85: {  	_ =	shalt  }
0x86: {  	_ =	shalt  }
0x87: {  	_ =	shalt  }
.Lfunc_end0:
.L_simem_size_0:
called_computation_lowered:
.L_overlay_start_0:
0x88: {  	s2 =	sld [smem:$0x3FD9]  }
0x89: {  	s3 =	sld [smem:$0x3FFE];
	_ =	sdelay $0x1  }
0x8a: {  	s1 =	srdreg.scid  }
0x8b: {  	s0 =	sand.u32 $0x1, s1  }
0x8c: {  	s17 =	sshll.u32 s0, $0xA;
	s2 =	sadd.s32 s3, s2  }
0x8d: {  	s2 =	sadd.s32 s2, s17  }
0x8e: {  	[smem:$0x3FC6] =	sst s2  }
0x8f: {  	_ = 	snop  }
0x90: {  	s2 =	sld [smem:$0x3FC9];
	(tm) =	ssettm $0x1  }
0x91: {  	s18 =	sld [smem:$0x3FFB];
	_ =	sdelay $0x3  }
0x92: {  	_ =	strace s18  }
0x93: {  	s3 =	sld [smem:$0x3FFC];
	_ =	sdelay $0x3  }
0x94: {  	_ =	strace s3  }
0x95: {  	s3 =	sld [smem:$0x3FFD];
	_ =	sdelay $0x3  }
0x96: {  	_ =	strace s3  }
0x97: {  	_ =	strace $0x8FFFFFFF  }
0x98: {  	s19 =	sld [smem:$0x3FDB];
	_ =	sdelay $0x1  }
0x99: {  	s4 =	simm.s32 $_scs_section_size  }
0x9a: {  	s5 =	simm.s32 $_size__tile_overlayer_lowered;
	s6 =	simm.s32 $_tile_overlayer_lowered  }
0x9b: {  	s22 =	simm.s32 $0x1BFF;
	s21 =	sshll.u32 s6, $0x1;
	s3 =	sadd.s32 s4, s19  }
0x9c: {  	s7 =	simm.s32 $0x0;
	s20 =	sshll.u32 s5, $0x1;
	s5 =	sadd.s32 s21, s3  }
0x9d: {  	[timem:s7], [sflag:s22] =	dma.local [hbm:s5], s20  }
0x9e: {  	_ =	swait.ge [sflag:s22], s20  }
0x9f: {  	s4 =	ssub.s32 $0x0, s20;
	[sflag:s22] =	ssyncset.done $0x0  }
0xa0: {  	[sflag:s22] =	ssyncadd.s32 s4;
	_ =	sdelay $0x1  }
0xa1: {  	s23 =	simm.s32 $0x1B8B  }
0xa2: {  	_ =	swait.ge [sflag:s23], $0x1  }
0xa3: {  	[sflag:s23] =	ssyncset.done $0x0  }
0xa4: {  	s25 =	simm.s32 $0x1B8E;
	s24 =	sld [smem:$0x3FFE];
	[sflag:s23] =	ssyncadd.s32 $0xFFFFFFFF  }
0xa5: {  	s26 =	simm.s32 $execute0_lowered;
	[smem:$0x3FD2] =	sst s25  }
0xa6: {  	s5 =	sshll.u32 s26, $0x1;
	_ =	strace $0x80000046;
	[dreg:$0x1] =	wrdreg $0xFFFFFFFF  }
0xa7: {  	s28 =	simm.s32 $_size_execute0_lowered;
	s3 =	sadd.s32 s3, s5;
	[dreg:$0x0] =	wrdreg $0x0  }
0xa8: {  	s5 =	sshll.u32 s28, $0x1;
	[dreg:$0x2] =	wrdreg s3  }
0xa9: {  	[dreg:$0x3] =	wrdreg s5  }
0xaa: {  	[dreg:$0x4] =	wrdreg $0xC0  }
0xab: {  	_ =	task [dreg:s7], $0x5FFFF  }
0xac: {  	[dreg:$0x1] =	wrdreg $0xFFFFFFFF  }
0xad: {  	[dreg:$0x0] =	wrdreg $0x60  }
0xae: {  	[dreg:$0x2] =	wrdreg s24  }
0xaf: {  	[dreg:$0x3] =	wrdreg s2  }
0xb0: {  	[dreg:$0x4] =	wrdreg $0x9  }
0xb1: {  	_ =	task.clear_ibuf [dreg:s7], $0x5FFFF;
	_ =	strace $0x90000046  }
0xb2: {  	s29 =	simm.s32 $0x9;
	_ =	strace $0x80000048  }
0xb3: {  	_ =	swait.ge [sflag:s29], $0x1  }
0xb4: {  	[sflag:s29] =	ssyncadd.s32 $0xFFFFFFFF  }
0xb5: {  	_ =	strace $0x90000048  }
0xb6: {  	_ =	sfence  }
0xb7: {  	s30 =	sld [smem:$0x0];
	_ =	sdelay $0x2  }
0xb8: {  	s31 =	sshll.u32 s1, $0xD;
	s1 =	sshrl.u32 s1, $0x2  }
0xb9: {  	s3 =	sand.u32 $0x4000, s31;
	s1 =	sadd.s32 s1, s30  }
0xba: {  	s0 =	sor.u32 s3, s0;
	s1 =	sshll.u32 s1, $0x11  }
0xbb: {  	s0 =	sor.u32 s1, s0  }
0xbc: {  	s0 =	sadd.s32 $0x8F2B, s0  }
0xbd: {  	[sflag:s0] =	ssyncadd.remote.s32 $0x1  }
0xbe: {  	_ =	sfence.sel $0xFFFF  }
0xbf: {  	[dreg:$0x0] =	wrdreg $0xFFFFFFFF;
	(pc) =	sbr.abs _section_cstart, $3  }
0xc0: {  	[dreg:$0x1] =	wrdreg $0xFFFFFFFF  }
0xc1: {  	_ =	task.clear_ibuf [dreg:s7], $0x2FFFF;
	_ =	strace $0x9FFFFFFF  }
0xc2: {  	(tm) =	ssettm $0x7FFFFFFF  }
0xc3: {  	_ =	shalt  }
tec
execute0_lowered:
.L_overlay_start_1:
0x0: {  	(tag) =	ssettag $0x1  }
0x1: {  	s4 =	rddreg [dreg:$0x0]  }
0x2: {  	s5 =	rddreg [dreg:$0x1];
	s3 =	srdreg.scid;
	s2 =	simm.s32 $0x0  }
0x3: {  	s0 =	stileid.u32;
	s11 =	simm.s32 $0x2;
	s13 =	simm.s32 $0x3  }
0x4: {  	s14 =	simm.s32 $0x0;
	s6 =	sand.u32 $0x1, s3;
	[smem:$0x7FF] =	sst s2  }
0x5: {  	s29 =	sshll.u32 s0, $0xA;
	s3 =	sadd.s32 $0x400, s4;
	s7 =	sshll.u32 s6, $0x9  }
0x6: {  	_ =	strace $0x80000047;
	s6 =	ssub.s32 $0x2, s6;
	s7 =	sor.u32 s7, s29  }
0x7: {  	s30 =	sshrl.u32 s6, $0x1;
	s8 =	sshll.u32 s7, $0x4;
	s7 =	sshrl.u32 s7, $0x3  }
0x8: {  	s9 =	ssub.s32 s6, s30;
	s8 =	sadd.s32 s8, s4;
	s31 =	sadd.s32 s5, s7  }
0x9: {  	s7 =	smax.u32 s9, $0x1;
	s9 =	simm.s32 $0x1;
	[dreg:$0x3] =	wrdreg s31  }
0xa: {  	s5 =	sadd.s32 $0x186E00, s8;
	s6 =	sadd.s32 $0x187E00, s8;
	s8 =	simm.s32 $0x4  }
.LBB2_1:
0xb: {  	s0 =	rddreg [dreg:$0x3]  }
0xc: {  	[tilespmem:s2], [sflag:$0x4] =	stream.linear.gather [hbm4b:s0+s2], $0x200, $0x38;
	[tilespmem:$0x10200] =	vst v63  }
0xd: {  	_ =	swait.ge [sflag:s8], $0x200  }
0xe: {  	[sflag:s8] =	ssyncset.done $0x0  }
0xf: {  	[sflag:s8] =	ssyncadd.s32 $0xFFFFFE00  }
0x10: {  	v0 =	vld [tilespmem:s2+$0x0];
	_ =	sdelay $0x4  }
0x11: {  	v0 =	vshll.u32 v0, $0x4  }
0x12: {  	(v2sf) =	vpush v0, $0x0  }
0x13: {  	(v2sf) =	vpush v0, $0x1  }
0x14: {  	(v2sf) =	vpush v0, $0x2;
	_ =	sdelay $0x1  }
0x15: {  	(v2sf) =	vpush v0, $0x4;
	_ =	sdelay $0x1  }
0x16: {  	(v2sf) =	vpush v0, $0x3  }
0x17: {  	(v2sf) =	vpush v0, $0x5  }
0x18: {  	s17 =	simm.s32 $0x2000;
	s16 =	simm.s32 $0x0;
	s18 =	simm.s32 $0x0;
	(v2sf) =	vpush v0, $0x6  }
.LBB2_2:
0x19: {  	p0 =	sne.s32 s17, $0x1E000  }
0x1a: {  	s29 =	sadd.s32 $0x280, s16;
	s22 =	sadd.s32 $0x780, s16;
	s19 =	smov.u32 s17  }
0x1b: {  	s17 =	sadd.s32 $0x2000, s17;
	s25 =	sadd.s32 $0x580, s16;
	s20 =	sadd.s32 $0x800, s16;
	(v2sf) =	vpush v0, $0x7  }
0x1c: {  	s28 =	sadd.s32 $0x480, s16;
	s23 =	sadd.s32 $0x600, s16;
	s21 =	sadd.s32 $0x880, s16  }
0x1d: {  	s30 =	sadd.s32 $0x200, s16;
	s31 =	sadd.s32 $0x400, s16;
	(v2sf) =	vpush v0, $0x8  }
0x1e: {  	s15 =	simm.s32 $0x0;
	s0 =	sadd.s32 $0x500, s16;
	s18 =	sadd.s32 $0x10, s18  }
0x1f: {  	s1 =	sadd.s32 $0x300, s16;
	s24 =	sadd.s32 $0x700, s16;
	s26 =	spop (v2sf);
	(v2sf) =	vpush v0, $0x9  }
0x20: {  	s10 =	sand.u32 $0x1FFFFFF0, s26;
	s26 =	sadd.s32 $0x680, s16;
	s12 =	spop (v2sf)  }
0x21: {  	s10 =	sadd.s32 s3, s10;
	s12 =	sand.u32 $0x1FFFFFF0, s12;
	s4 =	spop (v2sf);
	(v2sf) =	vpush v0, $0xA  }
0x22: {  	[tilespmem:s30], [sflag:$0x1] =	stream.linear.gather [hbm4b:s10+s15], $0x80, $0x38;
	[tilespmem:$0x10200] =	vst v63  }
0x23: {  	s10 =	sadd.s32 s3, s12;
	s12 =	sadd.s32 $0x380, s16;
	s30 =	spop (v2sf);
	(v2sf) =	vpush v0, $0xB  }
0x24: {  	[tilespmem:s29], [sflag:$0x1] =	stream.linear.gather [hbm4b:s10+s15], $0x80, $0x38;
	[tilespmem:$0x10200] =	vst v63  }
0x25: {  	s4 =	sand.u32 $0x1FFFFFF0, s4;
	s10 =	sand.u32 $0x1FFFFFF0, s30;
	s29 =	spop (v2sf);
	(v2sf) =	vpush v0, $0xC  }
0x26: {  	s4 =	sadd.s32 s3, s4;
	s29 =	sand.u32 $0x1FFFFFF0, s29;
	s30 =	spop (v2sf)  }
0x27: {  	[tilespmem:s1], [sflag:$0x1] =	stream.linear.gather [hbm4b:s4+s15], $0x80, $0x38;
	(v2sf) =	vpush v0, $0xD;
	[tilespmem:$0x10200] =	vst v63  }
0x28: {  	s1 =	sadd.s32 s3, s29;
	s4 =	sand.u32 $0x1FFFFFF0, s30;
	s29 =	spop (v2sf)  }
0x29: {  	[tilespmem:s12], [sflag:$0x1] =	stream.linear.gather [hbm4b:s1+s15], $0x80, $0x38;
	(v2sf) =	vpush v0, $0xE;
	[tilespmem:$0x10200] =	vst v63  }
0x2a: {  	s1 =	sadd.s32 s3, s10;
	s10 =	sand.u32 $0x1FFFFFF0, s29;
	s12 =	spop (v2sf)  }
0x2b: {  	[tilespmem:s31], [sflag:$0x1] =	stream.linear.gather [hbm4b:s1+s15], $0x80, $0x38;
	(v2sf) =	vpush v0, $0xF;
	[tilespmem:$0x10200] =	vst v63  }
0x2c: {  	s1 =	sadd.s32 s3, s4;
	s4 =	sand.u32 $0x1FFFFFF0, s12;
	s12 =	spop (v2sf)  }
0x2d: {  	[tilespmem:s28], [sflag:$0x1] =	stream.linear.gather [hbm4b:s1+s15], $0x80, $0x38;
	[tilespmem:$0x10200] =	vst v63  }
0x2e: {  	s1 =	sadd.s32 s3, s10;
	s10 =	sand.u32 $0x1FFFFFF0, s12;
	s12 =	spop (v2sf)  }
0x2f: {  	[tilespmem:s0], [sflag:$0x1] =	stream.linear.gather [hbm4b:s1+s15], $0x80, $0x38;
	[tilespmem:$0x10200] =	vst v63  }
0x30: {  	s0 =	sadd.s32 s3, s4;
	s1 =	sand.u32 $0x1FFFFFF0, s12;
	s4 =	spop (v2sf)  }
0x31: {  	[tilespmem:s25], [sflag:$0x1] =	stream.linear.gather [hbm4b:s0+s15], $0x80, $0x38;
	[tilespmem:$0x10200] =	vst v63  }
0x32: {  	s0 =	sadd.s32 s3, s10;
	s4 =	sand.u32 $0x1FFFFFF0, s4;
	s10 =	spop (v2sf)  }
0x33: {  	[tilespmem:s23], [sflag:$0x1] =	stream.linear.gather [hbm4b:s0+s15], $0x80, $0x38;
	[tilespmem:$0x10200] =	vst v63  }
0x34: {  	s0 =	sadd.s32 s3, s1;
	s1 =	sand.u32 $0x1FFFFFF0, s10;
	s10 =	spop (v2sf)  }
0x35: {  	[tilespmem:s26], [sflag:$0x1] =	stream.linear.gather [hbm4b:s0+s15], $0x80, $0x38;
	[tilespmem:$0x10200] =	vst v63  }
0x36: {  	s0 =	sadd.s32 s3, s4;
	s4 =	sand.u32 $0x1FFFFFF0, s10;
	s10 =	spop (v2sf)  }
0x37: {  	[tilespmem:s24], [sflag:$0x1] =	stream.linear.gather [hbm4b:s0+s15], $0x80, $0x38;
	[tilespmem:$0x10200] =	vst v63  }
0x38: {  	s0 =	sadd.s32 s3, s1;
	s1 =	sand.u32 $0x1FFFFFF0, s10;
	s10 =	spop (v2sf)  }
0x39: {  	[tilespmem:s22], [sflag:$0x1] =	stream.linear.gather [hbm4b:s0+s15], $0x80, $0x38;
	[tilespmem:$0x10200] =	vst v63  }
0x3a: {  	s0 =	sadd.s32 s3, s4;
	s4 =	sand.u32 $0x1FFFFFF0, s10;
	s10 =	spop (v2sf)  }
0x3b: {  	[tilespmem:s20], [sflag:$0x1] =	stream.linear.gather [hbm4b:s0+s15], $0x80, $0x38;
	[tilespmem:$0x10200] =	vst v63  }
0x3c: {  	s0 =	sadd.s32 s3, s1;
	s1 =	sand.u32 $0x1FFFFFF0, s10  }
0x3d: {  	[tilespmem:s21], [sflag:$0x1] =	stream.linear.gather [hbm4b:s0+s15], $0x80, $0x38;
	[tilespmem:$0x10200] =	vst v63  }
0x3e: {  	s4 =	sadd.s32 s3, s4;
	s0 =	sadd.s32 $0x900, s16  }
0x3f: {  	[tilespmem:s0], [sflag:$0x1] =	stream.linear.gather [hbm4b:s4+s15], $0x80, $0x38;
	[tilespmem:$0x10200] =	vst v63  }
0x40: {  	s1 =	sadd.s32 s3, s1;
	s0 =	sadd.s32 $0x980, s16  }
0x41: {  	[tilespmem:s0], [sflag:$0x1] =	stream.linear.gather [hbm4b:s1+s15], $0x80, $0x38;
	[tilespmem:$0x10200] =	vst v63  }
0x42: {  	v0 =	vld [tilespmem:s18+$0x0];
	_ =	sdelay $0x4  }
0x43: {  	v0 =	vshll.u32 v0, $0x4  }
0x44: {  	(v2sf) =	vpush v0, $0x0  }
0x45: {  	(v2sf) =	vpush v0, $0x1  }
0x46: {  	(v2sf) =	vpush v0, $0x2;
	_ =	sdelay $0x1  }
0x47: {  	(v2sf) =	vpush v0, $0x4  }
.Ltmp0:
0x48: {  	(pc) =	sbr.rel @p0 .LBB2_2-.Ltmp0, $3  }
0x49: {  	(v2sf) =	vpush v0, $0x3  }
0x4a: {  	(v2sf) =	vpush v0, $0x5;
	_ =	sdelay $0x1  }
0x4b: {  	s16 =	sshra.s32 s19, $0x2;
	(v2sf) =	vpush v0, $0x6  }
0x4c: {  	_ =	sdelay $0x1  }
0x4d: {  	s0 =	sadd.s32 $0x280, s16;
	s19 =	sadd.s32 $0x780, s16  }
0x4e: {  	s1 =	sadd.s32 $0x580, s16;
	s17 =	sadd.s32 $0x800, s16;
	(v2sf) =	vpush v0, $0x7;
	s4 =	sadd.s32 $0x480, s16  }
0x4f: {  	s10 =	sadd.s32 $0x600, s16;
	s18 =	sadd.s32 $0x880, s16;
	s12 =	sadd.s32 $0x200, s16  }
0x50: {  	s20 =	sadd.s32 $0x400, s16;
	s21 =	sadd.s32 $0x500, s16;
	(v2sf) =	vpush v0, $0x8;
	s22 =	spop (v2sf)  }
0x51: {  	s23 =	sadd.s32 $0x300, s16;
	s22 =	sand.u32 $0x1FFFFFF0, s22;
	s24 =	spop (v2sf)  }
0x52: {  	(v2sf) =	vpush v0, $0x9;
	s22 =	sadd.s32 s3, s22;
	s24 =	sand.u32 $0x1FFFFFF0, s24;
	s25 =	spop (v2sf)  }
0x53: {  	[tilespmem:s12], [sflag:$0x1] =	stream.linear.gather [hbm4b:s22+s15], $0x80, $0x38;
	[tilespmem:$0x10200] =	vst v63  }
0x54: {  	(v2sf) =	vpush v0, $0xA;
	s26 =	sadd.s32 s3, s24;
	s29 =	sand.u32 $0x1FFFFFF0, s25;
	s28 =	spop (v2sf)  }
0x55: {  	[tilespmem:s0], [sflag:$0x1] =	stream.linear.gather [hbm4b:s26+s15], $0x80, $0x38;
	[tilespmem:$0x10200] =	vst v63  }
0x56: {  	s12 =	sadd.s32 $0x700, s16;
	(v2sf) =	vpush v0, $0xB;
	s22 =	sadd.s32 s3, s29;
	s30 =	spop (v2sf)  }
0x57: {  	s0 =	sadd.s32 $0x680, s16;
	s26 =	sadd.s32 $0x380, s16;
	s25 =	sand.u32 $0x1FFFFFF0, s30  }
0x58: {  	(v2sf) =	vpush v0, $0xC;
	[tilespmem:s23], [sflag:$0x1] =	stream.linear.gather [hbm4b:s22+s15], $0x80, $0x38;
	[tilespmem:$0x10200] =	vst v63  }
0x59: {  	s31 =	sand.u32 $0x1FFFFFF0, s28;
	s28 =	spop (v2sf);
	s29 =	sadd.s32 s3, s25  }
0x5a: {  	(v2sf) =	vpush v0, $0xD;
	[tilespmem:s26], [sflag:$0x1] =	stream.linear.gather [hbm4b:s29+s15], $0x80, $0x38;
	[tilespmem:$0x10200] =	vst v63  }
0x5b: {  	s22 =	sadd.s32 s3, s31;
	s23 =	sand.u32 $0x1FFFFFF0, s28;
	s30 =	spop (v2sf)  }
0x5c: {  	(v2sf) =	vpush v0, $0xE;
	[tilespmem:s20], [sflag:$0x1] =	stream.linear.gather [hbm4b:s22+s15], $0x80, $0x38;
	[tilespmem:$0x10200] =	vst v63  }
0x5d: {  	s23 =	sadd.s32 s3, s23;
	s31 =	sand.u32 $0x1FFFFFF0, s30;
	s24 =	spop (v2sf)  }
0x5e: {  	(v2sf) =	vpush v0, $0xF;
	[tilespmem:s4], [sflag:$0x1] =	stream.linear.gather [hbm4b:s23+s15], $0x80, $0x38;
	[tilespmem:$0x10200] =	vst v63  }
0x5f: {  	s25 =	sand.u32 $0x1FFFFFF0, s24;
	s26 =	spop (v2sf);
	s20 =	sadd.s32 s3, s31  }
0x60: {  	[tilespmem:s21], [sflag:$0x1] =	stream.linear.gather [hbm4b:s20+s15], $0x80, $0x38;
	[tilespmem:$0x10200] =	vst v63  }
0x61: {  	s28 =	sand.u32 $0x1FFFFFF0, s26;
	s4 =	sadd.s32 s3, s25;
	s29 =	spop (v2sf)  }
0x62: {  	[tilespmem:s1], [sflag:$0x1] =	stream.linear.gather [hbm4b:s4+s15], $0x80, $0x38;
	[tilespmem:$0x10200] =	vst v63  }
0x63: {  	s20 =	sadd.s32 s3, s28;
	s30 =	sand.u32 $0x1FFFFFF0, s29;
	s31 =	spop (v2sf)  }
0x64: {  	[tilespmem:s10], [sflag:$0x1] =	stream.linear.gather [hbm4b:s20+s15], $0x80, $0x38;
	[tilespmem:$0x10200] =	vst v63  }
0x65: {  	s4 =	sand.u32 $0x1FFFFFF0, s31;
	s1 =	sadd.s32 s3, s30;
	s20 =	spop (v2sf)  }
0x66: {  	[tilespmem:s0], [sflag:$0x1] =	stream.linear.gather [hbm4b:s1+s15], $0x80, $0x38;
	[tilespmem:$0x10200] =	vst v63  }
0x67: {  	s4 =	sadd.s32 s3, s4;
	s21 =	sand.u32 $0x1FFFFFF0, s20;
	s22 =	spop (v2sf)  }
0x68: {  	[tilespmem:s12], [sflag:$0x1] =	stream.linear.gather [hbm4b:s4+s15], $0x80, $0x38;
	[tilespmem:$0x10200] =	vst v63  }
0x69: {  	s0 =	sadd.s32 s3, s21;
	s1 =	sand.u32 $0x1FFFFFF0, s22;
	s23 =	spop (v2sf)  }
0x6a: {  	[tilespmem:s19], [sflag:$0x1] =	stream.linear.gather [hbm4b:s0+s15], $0x80, $0x38;
	[tilespmem:$0x10200] =	vst v63  }
0x6b: {  	s24 =	sand.u32 $0x1FFFFFF0, s23;
	s1 =	sadd.s32 s3, s1;
	s25 =	spop (v2sf)  }
0x6c: {  	[tilespmem:s17], [sflag:$0x1] =	stream.linear.gather [hbm4b:s1+s15], $0x80, $0x38;
	[tilespmem:$0x10200] =	vst v63  }
0x6d: {  	s26 =	sand.u32 $0x1FFFFFF0, s25;
	s28 =	spop (v2sf);
	s0 =	sadd.s32 s3, s24  }
0x6e: {  	[tilespmem:s18], [sflag:$0x1] =	stream.linear.gather [hbm4b:s0+s15], $0x80, $0x38;
	[tilespmem:$0x10200] =	vst v63  }
0x6f: {  	s30 =	sadd.s32 $0x900, s16;
	s29 =	sand.u32 $0x1FFFFFF0, s28;
	s1 =	sadd.s32 s3, s26  }
0x70: {  	[tilespmem:s30], [sflag:$0x1] =	stream.linear.gather [hbm4b:s1+s15], $0x80, $0x38;
	[tilespmem:$0x10200] =	vst v63  }
0x71: {  	s31 =	sadd.s32 $0x980, s16;
	s16 =	simm.s32 $0x100;
	s0 =	sadd.s32 s3, s29  }
0x72: {  	[tilespmem:s31], [sflag:$0x1] =	stream.linear.gather [hbm4b:s0+s15], $0x80, $0x38;
	[tilespmem:$0x10200] =	vst v63  }
0x73: {  	v0 =	vld [tilespmem:s16+$0x0];
	_ =	sdelay $0x4  }
0x74: {  	v0 =	vshll.u32 v0, $0x4  }
0x75: {  	(v2sf) =	vpush v0, $0x0  }
0x76: {  	(v2sf) =	vpush v0, $0x1  }
0x77: {  	(v2sf) =	vpush v0, $0x2;
	_ =	sdelay $0x1  }
0x78: {  	(v2sf) =	vpush v0, $0x4;
	_ =	sdelay $0x1  }
0x79: {  	(v2sf) =	vpush v0, $0x3  }
0x7a: {  	(v2sf) =	vpush v0, $0x5  }
0x7b: {  	s17 =	simm.s32 $0x2000;
	s15 =	simm.s32 $0x0;
	(v2sf) =	vpush v0, $0x6  }
.LBB2_4:
0x7c: {  	p0 =	sne.s32 s17, $0x1E000  }
0x7d: {  	s0 =	sadd.s32 $0x8280, s15;
	s21 =	sadd.s32 $0x8780, s15;
	s18 =	smov.u32 s17  }
0x7e: {  	s17 =	sadd.s32 $0x2000, s17;
	s24 =	sadd.s32 $0x8580, s15;
	s19 =	sadd.s32 $0x8800, s15;
	(v2sf) =	vpush v0, $0x7  }
0x7f: {  	s26 =	sadd.s32 $0x8480, s15;
	s23 =	sadd.s32 $0x8600, s15;
	s20 =	sadd.s32 $0x8880, s15  }
0x80: {  	s1 =	sadd.s32 $0x8200, s15;
	s4 =	sadd.s32 $0x8400, s15;
	(v2sf) =	vpush v0, $0x8  }
0x81: {  	s10 =	sadd.s32 $0x8500, s15;
	s16 =	sadd.s32 $0x10, s16  }
0x82: {  	s12 =	sadd.s32 $0x8300, s15;
	s22 =	sadd.s32 $0x8700, s15;
	s25 =	spop (v2sf);
	(v2sf) =	vpush v0, $0x9  }
0x83: {  	s28 =	sand.u32 $0x1FFFFFF0, s25;
	s25 =	sadd.s32 $0x8680, s15;
	s29 =	spop (v2sf)  }
0x84: {  	s28 =	sadd.s32 s3, s28;
	s29 =	sand.u32 $0x1FFFFFF0, s29;
	s30 =	spop (v2sf);
	(v2sf) =	vpush v0, $0xA  }
0x85: {  	[tilespmem:s1], [sflag:$0x2] =	stream.linear.gather [hbm4b:s28+s2], $0x80, $0x38;
	[tilespmem:$0x10200] =	vst v63  }
0x86: {  	s1 =	sadd.s32 s3, s29;
	s28 =	sadd.s32 $0x8380, s15;
	s29 =	spop (v2sf);
	(v2sf) =	vpush v0, $0xB  }
0x87: {  	[tilespmem:s0], [sflag:$0x2] =	stream.linear.gather [hbm4b:s1+s2], $0x80, $0x38;
	[tilespmem:$0x10200] =	vst v63  }
0x88: {  	s0 =	sand.u32 $0x1FFFFFF0, s30;
	s1 =	sand.u32 $0x1FFFFFF0, s29;
	s29 =	spop (v2sf);
	(v2sf) =	vpush v0, $0xC  }
0x89: {  	s0 =	sadd.s32 s3, s0;
	s29 =	sand.u32 $0x1FFFFFF0, s29;
	s30 =	spop (v2sf)  }
0x8a: {  	[tilespmem:s12], [sflag:$0x2] =	stream.linear.gather [hbm4b:s0+s2], $0x80, $0x38;
	(v2sf) =	vpush v0, $0xD;
	[tilespmem:$0x10200] =	vst v63  }
0x8b: {  	s0 =	sadd.s32 s3, s29;
	s12 =	sand.u32 $0x1FFFFFF0, s30;
	s29 =	spop (v2sf)  }
0x8c: {  	[tilespmem:s28], [sflag:$0x2] =	stream.linear.gather [hbm4b:s0+s2], $0x80, $0x38;
	(v2sf) =	vpush v0, $0xE;
	[tilespmem:$0x10200] =	vst v63  }
0x8d: {  	s0 =	sadd.s32 s3, s1;
	s1 =	sand.u32 $0x1FFFFFF0, s29;
	s28 =	spop (v2sf)  }
0x8e: {  	[tilespmem:s4], [sflag:$0x2] =	stream.linear.gather [hbm4b:s0+s2], $0x80, $0x38;
	(v2sf) =	vpush v0, $0xF;
	[tilespmem:$0x10200] =	vst v63  }
0x8f: {  	s0 =	sadd.s32 s3, s12;
	s4 =	sand.u32 $0x1FFFFFF0, s28;
	s12 =	spop (v2sf)  }
0x90: {  	[tilespmem:s26], [sflag:$0x2] =	stream.linear.gather [hbm4b:s0+s2], $0x80, $0x38;
	[tilespmem:$0x10200] =	vst v63  }
0x91: {  	s0 =	sadd.s32 s3, s1;
	s1 =	sand.u32 $0x1FFFFFF0, s12;
	s12 =	spop (v2sf)  }
0x92: {  	[tilespmem:s10], [sflag:$0x2] =	stream.linear.gather [hbm4b:s0+s2], $0x80, $0x38;
	[tilespmem:$0x10200] =	vst v63  }
0x93: {  	s0 =	sadd.s32 s3, s4;
	s4 =	sand.u32 $0x1FFFFFF0, s12;
	s10 =	spop (v2sf)  }
0x94: {  	[tilespmem:s24], [sflag:$0x2] =	stream.linear.gather [hbm4b:s0+s2], $0x80, $0x38;
	[tilespmem:$0x10200] =	vst v63  }
0x95: {  	s0 =	sadd.s32 s3, s1;
	s1 =	sand.u32 $0x1FFFFFF0, s10;
	s10 =	spop (v2sf)  }
0x96: {  	[tilespmem:s23], [sflag:$0x2] =	stream.linear.gather [hbm4b:s0+s2], $0x80, $0x38;
	[tilespmem:$0x10200] =	vst v63  }
0x97: {  	s0 =	sadd.s32 s3, s4;
	s4 =	sand.u32 $0x1FFFFFF0, s10;
	s10 =	spop (v2sf)  }
0x98: {  	[tilespmem:s25], [sflag:$0x2] =	stream.linear.gather [hbm4b:s0+s2], $0x80, $0x38;
	[tilespmem:$0x10200] =	vst v63  }
0x99: {  	s0 =	sadd.s32 s3, s1;
	s1 =	sand.u32 $0x1FFFFFF0, s10;
	s10 =	spop (v2sf)  }
0x9a: {  	[tilespmem:s22], [sflag:$0x2] =	stream.linear.gather [hbm4b:s0+s2], $0x80, $0x38;
	[tilespmem:$0x10200] =	vst v63  }
0x9b: {  	s0 =	sadd.s32 s3, s4;
	s4 =	sand.u32 $0x1FFFFFF0, s10;
	s10 =	spop (v2sf)  }
0x9c: {  	[tilespmem:s21], [sflag:$0x2] =	stream.linear.gather [hbm4b:s0+s2], $0x80, $0x38;
	[tilespmem:$0x10200] =	vst v63  }
0x9d: {  	s0 =	sadd.s32 s3, s1;
	s1 =	sand.u32 $0x1FFFFFF0, s10;
	s10 =	spop (v2sf)  }
0x9e: {  	[tilespmem:s19], [sflag:$0x2] =	stream.linear.gather [hbm4b:s0+s2], $0x80, $0x38;
	[tilespmem:$0x10200] =	vst v63  }
0x9f: {  	s0 =	sadd.s32 s3, s4;
	s4 =	sand.u32 $0x1FFFFFF0, s10  }
0xa0: {  	[tilespmem:s20], [sflag:$0x2] =	stream.linear.gather [hbm4b:s0+s2], $0x80, $0x38;
	[tilespmem:$0x10200] =	vst v63  }
0xa1: {  	s1 =	sadd.s32 s3, s1;
	s0 =	sadd.s32 $0x8900, s15  }
0xa2: {  	[tilespmem:s0], [sflag:$0x2] =	stream.linear.gather [hbm4b:s1+s2], $0x80, $0x38;
	[tilespmem:$0x10200] =	vst v63  }
0xa3: {  	s0 =	sadd.s32 $0x8980, s15;
	s1 =	sadd.s32 s3, s4  }
0xa4: {  	[tilespmem:s0], [sflag:$0x2] =	stream.linear.gather [hbm4b:s1+s2], $0x80, $0x38;
	[tilespmem:$0x10200] =	vst v63  }
0xa5: {  	v0 =	vld [tilespmem:s16+$0x0];
	_ =	sdelay $0x4  }
0xa6: {  	v0 =	vshll.u32 v0, $0x4  }
0xa7: {  	(v2sf) =	vpush v0, $0x0  }
0xa8: {  	(v2sf) =	vpush v0, $0x1  }
0xa9: {  	(v2sf) =	vpush v0, $0x2;
	_ =	sdelay $0x1  }
0xaa: {  	(v2sf) =	vpush v0, $0x4  }
.Ltmp1:
0xab: {  	(pc) =	sbr.rel @p0 .LBB2_4-.Ltmp1, $3  }
0xac: {  	(v2sf) =	vpush v0, $0x3  }
0xad: {  	(v2sf) =	vpush v0, $0x5;
	_ =	sdelay $0x1  }
0xae: {  	s15 =	sshra.s32 s18, $0x2;
	(v2sf) =	vpush v0, $0x6  }
0xaf: {  	_ =	sdelay $0x5  }
0xb0: {  	s0 =	spop (v2sf)  }
0xb1: {  	s1 =	spop (v2sf)  }
0xb2: {  	s17 =	spop (v2sf)  }
0xb3: {  	s20 =	spop (v2sf);
	(v2sf) =	vpush v0, $0x7  }
0xb4: {  	s0 =	sand.u32 $0x1FFFFFF0, s0  }
0xb5: {  	s4 =	sadd.s32 $0x8200, s15;
	s0 =	sadd.s32 s3, s0  }
0xb6: {  	[tilespmem:s4], [sflag:$0x2] =	stream.linear.gather [hbm4b:s0+s2], $0x80, $0x38;
	[tilespmem:$0x10200] =	vst v63  }
0xb7: {  	s1 =	sand.u32 $0x1FFFFFF0, s1;
	s21 =	spop (v2sf);
	(v2sf) =	vpush v0, $0x8  }
0xb8: {  	s16 =	sadd.s32 $0x8280, s15;
	s1 =	sadd.s32 s3, s1  }
0xb9: {  	[tilespmem:s16], [sflag:$0x2] =	stream.linear.gather [hbm4b:s1+s2], $0x80, $0x38;
	[tilespmem:$0x10200] =	vst v63  }
0xba: {  	s18 =	sand.u32 $0x1FFFFFF0, s17;
	s25 =	spop (v2sf);
	(v2sf) =	vpush v0, $0x9  }
0xbb: {  	s19 =	sadd.s32 $0x8300, s15;
	s0 =	sadd.s32 s3, s18  }
0xbc: {  	[tilespmem:s19], [sflag:$0x2] =	stream.linear.gather [hbm4b:s0+s2], $0x80, $0x38;
	[tilespmem:$0x10200] =	vst v63  }
0xbd: {  	s0 =	sand.u32 $0x1FFFFFF0, s21;
	s28 =	spop (v2sf);
	(v2sf) =	vpush v0, $0xA  }
0xbe: {  	s22 =	sadd.s32 $0x8380, s15;
	s23 =	sand.u32 $0x1FFFFFF0, s20;
	s0 =	sadd.s32 s3, s0  }
0xbf: {  	[tilespmem:s22], [sflag:$0x2] =	stream.linear.gather [hbm4b:s0+s2], $0x80, $0x38;
	[tilespmem:$0x10200] =	vst v63  }
0xc0: {  	s24 =	sadd.s32 $0x8400, s15;
	s0 =	sadd.s32 s3, s23  }
0xc1: {  	[tilespmem:s24], [sflag:$0x2] =	stream.linear.gather [hbm4b:s0+s2], $0x80, $0x38;
	[tilespmem:$0x10200] =	vst v63  }
0xc2: {  	s0 =	sand.u32 $0x1FFFFFF0, s25;
	s30 =	spop (v2sf);
	(v2sf) =	vpush v0, $0xB  }
0xc3: {  	s26 =	sadd.s32 $0x8480, s15;
	s0 =	sadd.s32 s3, s0  }
0xc4: {  	[tilespmem:s26], [sflag:$0x2] =	stream.linear.gather [hbm4b:s0+s2], $0x80, $0x38;
	[tilespmem:$0x10200] =	vst v63  }
0xc5: {  	s0 =	sand.u32 $0x1FFFFFF0, s28  }
0xc6: {  	s29 =	sadd.s32 $0x8500, s15;
	s0 =	sadd.s32 s3, s0;
	s4 =	spop (v2sf);
	(v2sf) =	vpush v0, $0xC  }
0xc7: {  	[tilespmem:s29], [sflag:$0x2] =	stream.linear.gather [hbm4b:s0+s2], $0x80, $0x38;
	[tilespmem:$0x10200] =	vst v63  }
0xc8: {  	s0 =	sand.u32 $0x1FFFFFF0, s30  }
0xc9: {  	s31 =	sadd.s32 $0x8580, s15;
	s0 =	sadd.s32 s3, s0;
	s12 =	spop (v2sf);
	(v2sf) =	vpush v0, $0xD  }
0xca: {  	[tilespmem:s31], [sflag:$0x2] =	stream.linear.gather [hbm4b:s0+s2], $0x80, $0x38;
	[tilespmem:$0x10200] =	vst v63  }
0xcb: {  	s0 =	sand.u32 $0x1FFFFFF0, s4  }
0xcc: {  	s10 =	sadd.s32 $0x8600, s15;
	s0 =	sadd.s32 s3, s0;
	s17 =	spop (v2sf);
	(v2sf) =	vpush v0, $0xE  }
0xcd: {  	[tilespmem:s10], [sflag:$0x2] =	stream.linear.gather [hbm4b:s0+s2], $0x80, $0x38;
	[tilespmem:$0x10200] =	vst v63  }
0xce: {  	s0 =	sand.u32 $0x1FFFFFF0, s12  }
0xcf: {  	s16 =	sadd.s32 $0x8680, s15;
	s0 =	sadd.s32 s3, s0  }
0xd0: {  	[tilespmem:s16], [sflag:$0x2] =	stream.linear.gather [hbm4b:s0+s2], $0x80, $0x38;
	[tilespmem:$0x10200] =	vst v63  }
0xd1: {  	s0 =	sand.u32 $0x1FFFFFF0, s17;
	s19 =	spop (v2sf);
	(v2sf) =	vpush v0, $0xF  }
0xd2: {  	s18 =	sadd.s32 $0x8700, s15;
	s0 =	sadd.s32 s3, s0  }
0xd3: {  	[tilespmem:s18], [sflag:$0x2] =	stream.linear.gather [hbm4b:s0+s2], $0x80, $0x38;
	[tilespmem:$0x10200] =	vst v63  }
0xd4: {  	s0 =	sand.u32 $0x1FFFFFF0, s19  }
0xd5: {  	s20 =	sadd.s32 $0x8780, s15;
	s0 =	sadd.s32 s3, s0;
	s21 =	spop (v2sf)  }
0xd6: {  	[tilespmem:s20], [sflag:$0x2] =	stream.linear.gather [hbm4b:s0+s2], $0x80, $0x38;
	[tilespmem:$0x10200] =	vst v63  }
0xd7: {  	s0 =	sand.u32 $0x1FFFFFF0, s21  }
0xd8: {  	s22 =	sadd.s32 $0x8800, s15;
	s23 =	spop (v2sf);
	s0 =	sadd.s32 s3, s0  }
0xd9: {  	[tilespmem:s22], [sflag:$0x2] =	stream.linear.gather [hbm4b:s0+s2], $0x80, $0x38;
	[tilespmem:$0x10200] =	vst v63  }
0xda: {  	s0 =	sand.u32 $0x1FFFFFF0, s23  }
0xdb: {  	s24 =	sadd.s32 $0x8880, s15;
	s25 =	spop (v2sf);
	s0 =	sadd.s32 s3, s0  }
0xdc: {  	[tilespmem:s24], [sflag:$0x2] =	stream.linear.gather [hbm4b:s0+s2], $0x80, $0x38;
	[tilespmem:$0x10200] =	vst v63  }
0xdd: {  	s0 =	sand.u32 $0x1FFFFFF0, s25  }
0xde: {  	s26 =	sadd.s32 $0x8900, s15;
	s0 =	sadd.s32 s3, s0  }
0xdf: {  	[tilespmem:s26], [sflag:$0x2] =	stream.linear.gather [hbm4b:s0+s2], $0x80, $0x38;
	[tilespmem:$0x10200] =	vst v63  }
0xe0: {  	s28 =	spop (v2sf)  }
0xe1: {  	s0 =	sand.u32 $0x1FFFFFF0, s28  }
0xe2: {  	s29 =	sadd.s32 $0x8980, s15;
	s0 =	sadd.s32 s3, s0  }
0xe3: {  	[tilespmem:s29], [sflag:$0x2] =	stream.linear.gather [hbm4b:s0+s2], $0x80, $0x38;
	[tilespmem:$0x10200] =	vst v63  }
0xe4: {  	_ =	swait.ge [sflag:s9], $0x8000  }
0xe5: {  	[sflag:s9] =	ssyncset.done $0x0  }
0xe6: {  	s30 =	simm.s32 $0x200;
	[sflag:s9] =	ssyncadd.s32 $0xFFFF8000  }
0xe7: {  	[hbm4b:s5+s2] =	stream.linear.scatter [tilespmem:s30], [sflag:$0x3], $0x8000, $0x38;
	[tilespmem:$0x10200] =	vst v63  }
0xe8: {  	_ =	swait.ge [sflag:s11], $0x8000  }
0xe9: {  	[sflag:s11] =	ssyncset.done $0x0  }
0xea: {  	s14 =	sadd.s32 $0x1, s14;
	s31 =	simm.s32 $0x8200;
	[sflag:s11] =	ssyncadd.s32 $0xFFFF8000  }
0xeb: {  	[hbm4b:s6+s2] =	stream.linear.scatter [tilespmem:s31], [sflag:$0x3], $0x8000, $0x38;
	[tilespmem:$0x10200] =	vst v63  }
0xec: {  	p0 =	sne.s32 s14, s7;
	_ =	swait.ge [sflag:s13], $0x8000  }
.Ltmp2:
0xed: {  	[sflag:s13] =	ssyncset.done $0x0;
	(pc) =	sbr.rel @p0 .LBB2_1-.Ltmp2, $4  }
0xee: {  	[sflag:s13] =	ssyncadd.s32 $0xFFFF8000  }
0xef: {  	_ =	swait.ge [sflag:s13], $0x8000  }
0xf0: {  	[sflag:s13] =	ssyncset.done $0x0  }
0xf1: {  	[sflag:s13] =	ssyncadd.s32 $0xFFFF8000  }
0xf2: {  	_ =	sfence.sel $0x180000  }
0xf3: {  	[bflag:$0x0] =	sbarrier.arrive $0xFFFF  }
0xf4: {  	_ =	strace $0x90000047  }
0xf5: {  	s0 =	stileid.u32;
	[bflag:$0x2] =	sbarrier.arrive $0xFFFF  }
0xf6: {  	p0 =	sne.s32 s0, $0x0;
	s0 =	rddreg [dreg:$0x2]  }
0xf7: {  	s0 =	sadd.s32 @!p0 $0x100000, s0  }
0xf8: {  	[sflag:s0] =	ssyncadd.tile.s32 @!p0 $0x1;
	_ =	shalt  }
.Lfunc_end2:
_tile_overlayer_lowered:
.L_overlay_start_2:
0xf9: {  	(tag) =	ssettag $0x2  }
0xfa: {  	s0 =	rddreg [dreg:$0x0];
	s2 =	stileid.u32  }
0xfb: {  	s1 =	rddreg [dreg:$0x1];
	p0 =	sne.s32 s2, $0x0  }
0xfc: {  	s3 =	rddreg [dreg:$0x2];
	[bflag:$0x3] =	sbarrier.arrive $0xFFFF;
	s2 =	simm.s32 @!p0 $0x1C04  }
0xfd: {  	[timem:s3], [sflag:s2] =	dma.local @!p0 [hbm:s0], s1  }
0xfe: {  	s0 =	simm.s32 @!p0 $0x4  }
0xff: {  	_ =	swait.ge @!p0 [sflag:s0], s1  }
0x100: {  	s1 =	ssub.s32 @!p0 $0x0, s1;
	[sflag:s0] =	ssyncset.done @!p0 $0x0  }
0x101: {  	[sflag:s0] =	ssyncadd.s32 @!p0 s1  }
0x102: {  	[bflag:$0x3] =	sbarrier.arrive $0xFFFF  }
0x103: {  	_ =	shalt  }

</sc_bundles>
